<compile_context>
chip_gen: v7x
topology: tpu7x:2x2x1
jax: 0.10.2.dev20260603
libtpu: 0.0.44.dev20260713+nightly
codegen_flags: <defaults>
</compile_context>

<pallas_src>
import functools

import jax
import jax.numpy as jnp
from jax import lax
from jax.experimental import pallas as pl
from jax.experimental.pallas import tpu as pltpu
from jax.experimental.pallas import tpu_sc as plsc

NC, NS = 2, 16
NW = NC * NS
CHUNK = 128


def _sc_gather_sum(poi_table, cat_table, D, poi_idx2, cat_idx2, K):
    n_rows, IW = poi_idx2.shape
    N = n_rows * IW
    n_per_w = N // NW
    n_chunks = n_per_w // CHUNK
    n_groups = n_chunks // K
    mesh = plsc.VectorSubcoreMesh(core_axis_name="c", subcore_axis_name="s")

    @functools.partial(
        pl.kernel,
        out_type=jax.ShapeDtypeStruct((N // 2, 2 * D), jnp.float32),
        mesh=mesh,
        compiler_params=pltpu.CompilerParams(use_tc_tiling_on_sc=False),
        scratch_types=[
            pltpu.VMEM((n_chunks, CHUNK), jnp.int32),
            pltpu.VMEM((n_chunks, CHUNK), jnp.int32),
            pltpu.VMEM((K, CHUNK, D), jnp.float32),
            pltpu.SemaphoreType.DMA,
            pltpu.SemaphoreType.DMA,
            pltpu.SemaphoreType.DMA,
        ],
    )
    def k(poi_t, cat_t, pidx_h, cidx_h, out_h, pidx_v, cidx_v, bufs,
          sem_c, sem_p, sem_o):
        wid = lax.axis_index("s") * NC + lax.axis_index("c")
        crow = wid * n_chunks
        rowbase = (wid % 16) * n_per_w
        col0 = (wid // 16) * D
        pltpu.sync_copy(pidx_h.at[pl.ds(crow, n_chunks)], pidx_v)
        pltpu.sync_copy(cidx_h.at[pl.ds(crow, n_chunks)], cidx_v)

        def out_descs(g):
            return [
                pltpu.make_async_copy(
                    bufs.at[s],
                    out_h.at[pl.ds(rowbase + (g * K + s) * CHUNK, CHUNK),
                             pl.ds(col0, D)],
                    sem_o)
                for s in range(K)
            ]

        def body(g, carry):
            @pl.when(g > 0)
            def _():
                for d in out_descs(g - 1):
                    d.wait()

            cats = [
                pltpu.async_copy(
                    cat_t.at[cidx_v.at[g * K + s]], bufs.at[s], sem_c)
                for s in range(K)
            ]
            for d in cats:
                d.wait()
            pois = [
                pltpu.async_copy(
                    poi_t.at[pidx_v.at[g * K + s]], bufs.at[s], sem_p,
                    add=True)
                for s in range(K)
            ]
            for d in pois:
                d.wait()
            for d in out_descs(g):
                d.start()
            return carry

        lax.fori_loop(0, n_groups, body, 0)
        for d in out_descs(n_groups - 1):
            d.wait()

    return k(poi_table, cat_table, poi_idx2, cat_idx2)


def _tc_dense(packed, hourT3, W, hour_pad, b, B_, L_):
    M, D2 = packed.shape
    D = D2 // 2
    halfL = L_ // 2
    H = hour_pad.shape[0]

    def body(x_ref, hl_ref, hr_ref, w_ref, hp_ref, b_ref, o_ref):
        x2 = x_ref[...]
        Wfull = w_ref[...]
        hp = lax.dot_general(
            hp_ref[...], Wfull[:, D:], (((1,), (1,)), ((), ())),
            preferred_element_type=jnp.float32)
        hp = hp + b_ref[...][None, :]
        iota = lax.broadcasted_iota(jnp.int32, (B_, H), 1)
        for half, h_ref in ((0, hl_ref), (1, hr_ref)):
            h = h_ref[0, 0, :]
            oh = (h[:, None] == iota).astype(jnp.float32)
            yT = lax.dot_general(
                Wfull[:, :D], x2[:, half * D:(half + 1) * D],
                (((1,), (1,)), ((), ())),
                preferred_element_type=jnp.float32)
            yT = yT + lax.dot_general(
                hp, oh, (((0,), (1,)), ((), ())),
                preferred_element_type=jnp.float32)
            o_ref[half, 0, :, :] = jnp.tanh(yT)

    return pl.pallas_call(
        body,
        grid=(halfL,),
        in_specs=[
            pl.BlockSpec((B_, D2), lambda j: (j, 0)),
            pl.BlockSpec((1, 1, B_), lambda j: (j, 0, 0)),
            pl.BlockSpec((1, 1, B_), lambda j: (j + halfL, 0, 0)),
            pl.BlockSpec(W.shape, lambda j: (0, 0)),
            pl.BlockSpec(hour_pad.shape, lambda j: (0, 0)),
            pl.BlockSpec(b.shape, lambda j: (0,)),
        ],
        out_specs=pl.BlockSpec((2, 1, D, B_), lambda j: (0, j, 0, 0)),
        out_shape=jax.ShapeDtypeStruct((2, halfL, D, B_), jnp.float32),
    )(packed, hourT3, hourT3, W, hour_pad, b)


def kernel(poi_seq, category_seq, hour_seq, poi_table, cat_table, hour_table, W, b):
    B_, L_ = poi_seq.shape
    D = poi_table.shape[1]
    N = B_ * L_

    pidx2 = poi_seq.astype(jnp.int32).T.reshape(N // CHUNK, CHUNK)
    cidx2 = category_seq.astype(jnp.int32).T.reshape(N // CHUNK, CHUNK)
    packed = _sc_gather_sum(poi_table, cat_table, D, pidx2, cidx2, K=8)

    hourT3 = hour_seq.astype(jnp.int32).T.reshape(L_, 1, B_)
    hour_pad = jnp.pad(hour_table, ((0, 32 - hour_table.shape[0]), (0, 0)))
    outT = _tc_dense(packed, hourT3, W, hour_pad, b, B_, L_)
    return outT.reshape(L_, D, B_).transpose(2, 0, 1)

# --- scband reference (transcript-rebuilt; emitter-appended) ---
"""Pipeline reference for scband-lstm-time-aware-embedding-31327491457237 (READ-ONLY COPY).

The authoritative reference and input builder live on the scoring server;
editing this copy changes nothing except your own understanding.
"""

import jax, jax.numpy as jnp
import numpy as np

B, L, D = 4096, 200, 64
POI, CAT, HOUR = 1000000 + 1, 1000 + 1, 24 + 1
DH = D // 4


def setup_inputs(seed: int = 0) -> dict:
    key = jax.random.key(seed)
    ks = jax.random.split(key, 8)
    poi_seq = jax.random.randint(ks[0], (B, L), 0, 1000000)
    category_seq = jax.random.randint(ks[1], (B, L), 0, 1000)
    hour_seq = jax.random.randint(ks[2], (B, L), 0, 25)
    # learned parameters (xavier-style scales)
    poi_table = jax.random.normal(ks[3], (POI, D), dtype=jnp.float32) * (2.0 / (POI + D)) ** 0.5 * 10.0
    cat_table = jax.random.normal(ks[4], (CAT, D), dtype=jnp.float32) * (2.0 / (CAT + D)) ** 0.5
    hour_table = jax.random.normal(ks[5], (HOUR, DH), dtype=jnp.float32) * (2.0 / (HOUR + DH)) ** 0.5
    W = jax.random.uniform(ks[6], (D, D + DH), dtype=jnp.float32, minval=-1.0, maxval=1.0) * (6.0 / (D + D + DH)) ** 0.5
    b = jnp.zeros((D,), dtype=jnp.float32)
    return {"poi_seq": poi_seq, "category_seq": category_seq, "hour_seq": hour_seq,
            "poi_table": poi_table, "cat_table": cat_table, "hour_table": hour_table,
            "W": W, "b": b}


def reference(poi_seq, category_seq, hour_seq, poi_table, cat_table, hour_table, W, b):
    # embedding gathers (SparseCore-friendly)
    poi_emb = jnp.take(poi_table, poi_seq, axis=0)            # [B, L, D]
    cat_emb = jnp.take(cat_table, category_seq, axis=0)       # [B, L, D]
    token_emb = poi_emb + cat_emb
    hour_emb = jnp.take(hour_table, hour_seq, axis=0)         # [B, L, D//4]
    x = jnp.concatenate([token_emb, hour_emb], axis=-1)       # [B, L, D + D//4]
    # fc -> tanh; dropout is identity in eval mode
    out = jnp.tanh(x @ W.T + b)
    return out

if __name__ == "__main__":
    import jax
    _d = setup_inputs()
    print(jax.jit(kernel)(*tuple(_d.values())))

</pallas_src>

<mosaic_0001>
#map = affine_map<(d0, d1) -> (0, 0)>
module attributes {stable_mosaic.version = 14 : i64} {
  func.func @k(%arg0: i32, %arg1: i32, %arg2: memref<1000001x64xf32, #tpu.memory_space<hbm>>, %arg3: memref<1001x64xf32, #tpu.memory_space<hbm>>, %arg4: memref<6400x128xi32, #tpu.memory_space<hbm>>, %arg5: memref<6400x128xi32, #tpu.memory_space<hbm>>, %arg6: memref<409600x128xf32, #tpu.memory_space<hbm>>, %arg7: memref<200x128xi32, #tpu.memory_space<vmem>>, %arg8: memref<200x128xi32, #tpu.memory_space<vmem>>, %arg9: memref<8x128x64xf32, #tpu.memory_space<vmem>>, %arg10: memref<!tpu.dma_semaphore, #tpu.memory_space<semaphore_mem>>, %arg11: memref<!tpu.dma_semaphore, #tpu.memory_space<semaphore_mem>>, %arg12: memref<!tpu.dma_semaphore, #tpu.memory_space<semaphore_mem>>) attributes {dimension_semantics = [#tpu.dimension_semantics<core_parallel>, #tpu.dimension_semantics<subcore_parallel>], iteration_bounds = array<i64: 2, 16>, scalar_prefetch = 0 : i64, scratch_operands = 6 : i64, tpu.core_type = #tpu.core_type<sc_vector_subcore>, window_params = [{transform_indices = #map}, {transform_indices = #map}, {transform_indices = #map}, {transform_indices = #map}, {transform_indices = #map}]} {
    %mul3A = arith.constant 2 : i32
    %mul3A_0 = arith.muli %arg1, %mul3A : i32
    %add3A = arith.addi %mul3A_0, %arg0 : i32
    %mul3A_1 = arith.constant 200 : i32
    %mul3A_2 = arith.muli %add3A, %mul3A_1 : i32
    %jit3A = arith.constant 16 : i32
    %eq3A = arith.constant 0 : i32
    %eq3A_3 = arith.cmpi eq, %jit3A, %eq3A : i32
    %jit3A_4 = arith.constant 1 : i32
    %select_n3A = arith.select %eq3A_3, %jit3A_4, %jit3A : i32
    %rem3A = arith.remsi %add3A, %select_n3A : i32
    %ne3A = arith.constant 0 : i32
    %ne3A_5 = arith.cmpi ne, %rem3A, %ne3A : i32
    %lt3A = arith.constant 0 : i32
    %lt3A_6 = arith.cmpi slt, %rem3A, %lt3A : i32
    %lt3A_7 = arith.constant 0 : i32
    %lt3A_8 = arith.cmpi slt, %select_n3A, %lt3A_7 : i32
    %ne3A_9 = arith.xori %lt3A_6, %lt3A_8 : i1
    %and3A = arith.andi %ne3A_9, %ne3A_5 : i1
    %add3A_10 = arith.addi %rem3A, %select_n3A : i32
    %select_n3A_11 = arith.select %and3A, %add3A_10, %rem3A : i32
    %mul3A_12 = arith.constant 25600 : i32
    %mul3A_13 = arith.muli %select_n3A_11, %mul3A_12 : i32
    %jit3A_14 = arith.constant 16 : i32
    %div3A = arith.divsi %add3A, %jit3A_14 : i32
    %sign3A = arith.constant 0 : i32
    %sign3A_15 = arith.cmpi sgt, %add3A, %sign3A : i32
    %sign3A_16 = arith.extui %sign3A_15 : i1 to i32
    %sign3A_17 = arith.constant 0 : i32
    %sign3A_18 = arith.cmpi slt, %add3A, %sign3A_17 : i32
    %sign3A_19 = arith.extui %sign3A_18 : i1 to i32
    %sign3A_20 = arith.subi %sign3A_16, %sign3A_19 : i32
    %sign3A_21 = arith.constant 0 : i32
    %sign3A_22 = arith.cmpi sgt, %jit3A_14, %sign3A_21 : i32
    %sign3A_23 = arith.extui %sign3A_22 : i1 to i32
    %sign3A_24 = arith.constant 0 : i32
    %sign3A_25 = arith.cmpi slt, %jit3A_14, %sign3A_24 : i32
    %sign3A_26 = arith.extui %sign3A_25 : i1 to i32
    %sign3A_27 = arith.subi %sign3A_23, %sign3A_26 : i32
    %ne3A_28 = arith.cmpi ne, %sign3A_20, %sign3A_27 : i32
    %rem3A_29 = arith.remsi %add3A, %jit3A_14 : i32
    %ne3A_30 = arith.constant 0 : i32
    %ne3A_31 = arith.cmpi ne, %rem3A_29, %ne3A_30 : i32
    %and3A_32 = arith.andi %ne3A_28, %ne3A_31 : i1
    %sub3A = arith.constant 1 : i32
    %sub3A_33 = arith.subi %div3A, %sub3A : i32
    %select_n3A_34 = arith.select %and3A_32, %sub3A_33, %div3A : i32
    %mul3A_35 = arith.constant 64 : i32
    %mul3A_36 = arith.muli %select_n3A_34, %mul3A_35 : i32
    "tpu.region"() ({
      %run_scoped3A = tpu.sem_alloc : memref<!tpu.dma_semaphore, #tpu.memory_space<semaphore_mem>>
      %dma_start3A = arith.constant 0 : i32
      %dma_start3A_145 = tpu.memref_slice %arg4[%mul3A_2, %dma_start3A] : memref<6400x128xi32, #tpu.memory_space<hbm>> -> memref<200x128xi32, #tpu.memory_space<hbm>>
      %dma_start3A_146 = arith.constant 0 : i32
      %dma_start3A_147 = tpu.memref_slice %arg4[%mul3A_2, %dma_start3A_146] : memref<6400x128xi32, #tpu.memory_space<hbm>> -> memref<200x128xi32, #tpu.memory_space<hbm>>
      tpu.enqueue_dma source(%dma_start3A_147 : memref<200x128xi32, #tpu.memory_space<hbm>>) target(%arg7 : memref<200x128xi32, #tpu.memory_space<vmem>>) target_semaphore(%run_scoped3A : memref<!tpu.dma_semaphore, #tpu.memory_space<semaphore_mem>>)
      %dma_wait3A_148 = arith.constant 0 : i32
      %dma_wait3A_149 = tpu.memref_slice %arg4[%mul3A_2, %dma_wait3A_148] : memref<6400x128xi32, #tpu.memory_space<hbm>> -> memref<200x128xi32, #tpu.memory_space<hbm>>
      %dma_wait3A_150 = arith.constant 0 : i32
      %dma_wait3A_151 = tpu.memref_slice %arg4[%mul3A_2, %dma_wait3A_150] : memref<6400x128xi32, #tpu.memory_space<hbm>> -> memref<200x128xi32, #tpu.memory_space<hbm>>
      tpu.wait_dma2 semaphore(%run_scoped3A : memref<!tpu.dma_semaphore, #tpu.memory_space<semaphore_mem>>) src(%dma_wait3A_151 : memref<200x128xi32, #tpu.memory_space<hbm>>) dst(%arg7 : memref<200x128xi32, #tpu.memory_space<vmem>>)
      tpu.yield
    }) : () -> ()
    "tpu.region"() ({
      %run_scoped3A = tpu.sem_alloc : memref<!tpu.dma_semaphore, #tpu.memory_space<semaphore_mem>>
      %dma_start3A = arith.constant 0 : i32
      %dma_start3A_145 = tpu.memref_slice %arg5[%mul3A_2, %dma_start3A] : memref<6400x128xi32, #tpu.memory_space<hbm>> -> memref<200x128xi32, #tpu.memory_space<hbm>>
      %dma_start3A_146 = arith.constant 0 : i32
      %dma_start3A_147 = tpu.memref_slice %arg5[%mul3A_2, %dma_start3A_146] : memref<6400x128xi32, #tpu.memory_space<hbm>> -> memref<200x128xi32, #tpu.memory_space<hbm>>
      tpu.enqueue_dma source(%dma_start3A_147 : memref<200x128xi32, #tpu.memory_space<hbm>>) target(%arg8 : memref<200x128xi32, #tpu.memory_space<vmem>>) target_semaphore(%run_scoped3A : memref<!tpu.dma_semaphore, #tpu.memory_space<semaphore_mem>>)
      %dma_wait3A_148 = arith.constant 0 : i32
      %dma_wait3A_149 = tpu.memref_slice %arg5[%mul3A_2, %dma_wait3A_148] : memref<6400x128xi32, #tpu.memory_space<hbm>> -> memref<200x128xi32, #tpu.memory_space<hbm>>
      %dma_wait3A_150 = arith.constant 0 : i32
      %dma_wait3A_151 = tpu.memref_slice %arg5[%mul3A_2, %dma_wait3A_150] : memref<6400x128xi32, #tpu.memory_space<hbm>> -> memref<200x128xi32, #tpu.memory_space<hbm>>
      tpu.wait_dma2 semaphore(%run_scoped3A : memref<!tpu.dma_semaphore, #tpu.memory_space<semaphore_mem>>) src(%dma_wait3A_151 : memref<200x128xi32, #tpu.memory_space<hbm>>) dst(%arg8 : memref<200x128xi32, #tpu.memory_space<vmem>>)
      tpu.yield
    }) : () -> ()
    %scan3A = arith.constant 0 : i32
    %scan3A_37 = arith.constant 0 : i32
    %scan3A_38 = arith.constant 25 : i32
    %scan3A_39 = arith.addi %scan3A_37, %scan3A_38 : i32
    %scan3A_40 = arith.constant 1 : i32
    scf.for %scan3A_145 = %scan3A_37 to %scan3A_39 step %scan3A_40  : i32 {
      %gt3A = arith.constant 0 : i32
      %gt3A_146 = arith.cmpi sgt, %scan3A_145, %gt3A : i32
      %convert_element_type3A = arith.extui %gt3A_146 : i1 to i32
      %cond3A = arith.constant 0 : i32
      %cond3A_147 = arith.cmpi ne, %convert_element_type3A, %cond3A : i32
      scf.if %cond3A_147 {
        %sub3A_707 = arith.constant 1 : i32
        %sub3A_708 = arith.subi %scan3A_145, %sub3A_707 : i32
        %mul3A_709 = arith.constant 8 : i32
        %mul3A_710 = arith.muli %sub3A_708, %mul3A_709 : i32
        %add3A_711 = arith.constant 0 : i32
        %add3A_712 = arith.addi %mul3A_710, %add3A_711 : i32
        %mul3A_713 = arith.constant 128 : i32
        %mul3A_714 = arith.muli %add3A_712, %mul3A_713 : i32
        %add3A_715 = arith.addi %mul3A_13, %mul3A_714 : i32
        %mul3A_716 = arith.constant 8 : i32
        %mul3A_717 = arith.muli %sub3A_708, %mul3A_716 : i32
        %add3A_718 = arith.constant 1 : i32
        %add3A_719 = arith.addi %mul3A_717, %add3A_718 : i32
        %mul3A_720 = arith.constant 128 : i32
        %mul3A_721 = arith.muli %add3A_719, %mul3A_720 : i32
        %add3A_722 = arith.addi %mul3A_13, %mul3A_721 : i32
        %mul3A_723 = arith.constant 8 : i32
        %mul3A_724 = arith.muli %sub3A_708, %mul3A_723 : i32
        %add3A_725 = arith.constant 2 : i32
        %add3A_726 = arith.addi %mul3A_724, %add3A_725 : i32
        %mul3A_727 = arith.constant 128 : i32
        %mul3A_728 = arith.muli %add3A_726, %mul3A_727 : i32
        %add3A_729 = arith.addi %mul3A_13, %mul3A_728 : i32
        %mul3A_730 = arith.constant 8 : i32
        %mul3A_731 = arith.muli %sub3A_708, %mul3A_730 : i32
        %add3A_732 = arith.constant 3 : i32
        %add3A_733 = arith.addi %mul3A_731, %add3A_732 : i32
        %mul3A_734 = arith.constant 128 : i32
        %mul3A_735 = arith.muli %add3A_733, %mul3A_734 : i32
        %add3A_736 = arith.addi %mul3A_13, %mul3A_735 : i32
        %mul3A_737 = arith.constant 8 : i32
        %mul3A_738 = arith.muli %sub3A_708, %mul3A_737 : i32
        %add3A_739 = arith.constant 4 : i32
        %add3A_740 = arith.addi %mul3A_738, %add3A_739 : i32
        %mul3A_741 = arith.constant 128 : i32
        %mul3A_742 = arith.muli %add3A_740, %mul3A_741 : i32
        %add3A_743 = arith.addi %mul3A_13, %mul3A_742 : i32
        %mul3A_744 = arith.constant 8 : i32
        %mul3A_745 = arith.muli %sub3A_708, %mul3A_744 : i32
        %add3A_746 = arith.constant 5 : i32
        %add3A_747 = arith.addi %mul3A_745, %add3A_746 : i32
        %mul3A_748 = arith.constant 128 : i32
        %mul3A_749 = arith.muli %add3A_747, %mul3A_748 : i32
        %add3A_750 = arith.addi %mul3A_13, %mul3A_749 : i32
        %mul3A_751 = arith.constant 8 : i32
        %mul3A_752 = arith.muli %sub3A_708, %mul3A_751 : i32
        %add3A_753 = arith.constant 6 : i32
        %add3A_754 = arith.addi %mul3A_752, %add3A_753 : i32
        %mul3A_755 = arith.constant 128 : i32
        %mul3A_756 = arith.muli %add3A_754, %mul3A_755 : i32
        %add3A_757 = arith.addi %mul3A_13, %mul3A_756 : i32
        %mul3A_758 = arith.constant 8 : i32
        %mul3A_759 = arith.muli %sub3A_708, %mul3A_758 : i32
        %add3A_760 = arith.constant 7 : i32
        %add3A_761 = arith.addi %mul3A_759, %add3A_760 : i32
        %mul3A_762 = arith.constant 128 : i32
        %mul3A_763 = arith.muli %add3A_761, %mul3A_762 : i32
        %add3A_764 = arith.addi %mul3A_13, %mul3A_763 : i32
        %dma_wait3A_765 = arith.constant 0 : i32
        %dma_wait3A_766 = arith.constant 0 : i32
        %dma_wait3A_767 = arith.constant 0 : i32
        %dma_wait3A_768 = tpu.memref_slice %arg9[%dma_wait3A_765, %dma_wait3A_766, %dma_wait3A_767] : memref<8x128x64xf32, #tpu.memory_space<vmem>> -> memref<1x128x64xf32, #tpu.memory_space<vmem>>
        %dma_wait3A_769 = tpu.memref_squeeze %dma_wait3A_768 : memref<1x128x64xf32, #tpu.memory_space<vmem>> -> memref<128x64xf32, #tpu.memory_space<vmem>>
        %dma_wait3A_770 = tpu.memref_slice %arg6[%add3A_715, %mul3A_36] : memref<409600x128xf32, #tpu.memory_space<hbm>> -> memref<128x64xf32, #tpu.memory_space<hbm>>
        %dma_wait3A_771 = tpu.memref_slice %arg6[%add3A_715, %mul3A_36] : memref<409600x128xf32, #tpu.memory_space<hbm>> -> memref<128x64xf32, #tpu.memory_space<hbm>>
        %dma_wait3A_772 = arith.constant 0 : i32
        %dma_wait3A_773 = arith.constant 0 : i32
        %dma_wait3A_774 = tpu.memref_slice %arg9[%dma_wait3A_765, %dma_wait3A_772, %dma_wait3A_773] : memref<8x128x64xf32, #tpu.memory_space<vmem>> -> memref<1x128x64xf32, #tpu.memory_space<vmem>>
        %dma_wait3A_775 = tpu.memref_squeeze %dma_wait3A_774 : memref<1x128x64xf32, #tpu.memory_space<vmem>> -> memref<128x64xf32, #tpu.memory_space<vmem>>
        tpu.wait_dma2 semaphore(%arg12 : memref<!tpu.dma_semaphore, #tpu.memory_space<semaphore_mem>>) src(%dma_wait3A_775 : memref<128x64xf32, #tpu.memory_space<vmem>>) dst(%dma_wait3A_771 : memref<128x64xf32, #tpu.memory_space<hbm>>)
        %dma_wait3A_776 = arith.constant 1 : i32
        %dma_wait3A_777 = arith.constant 0 : i32
        %dma_wait3A_778 = arith.constant 0 : i32
        %dma_wait3A_779 = tpu.memref_slice %arg9[%dma_wait3A_776, %dma_wait3A_777, %dma_wait3A_778] : memref<8x128x64xf32, #tpu.memory_space<vmem>> -> memref<1x128x64xf32, #tpu.memory_space<vmem>>
        %dma_wait3A_780 = tpu.memref_squeeze %dma_wait3A_779 : memref<1x128x64xf32, #tpu.memory_space<vmem>> -> memref<128x64xf32, #tpu.memory_space<vmem>>
        %dma_wait3A_781 = tpu.memref_slice %arg6[%add3A_722, %mul3A_36] : memref<409600x128xf32, #tpu.memory_space<hbm>> -> memref<128x64xf32, #tpu.memory_space<hbm>>
        %dma_wait3A_782 = tpu.memref_slice %arg6[%add3A_722, %mul3A_36] : memref<409600x128xf32, #tpu.memory_space<hbm>> -> memref<128x64xf32, #tpu.memory_space<hbm>>
        %dma_wait3A_783 = arith.constant 0 : i32
        %dma_wait3A_784 = arith.constant 0 : i32
        %dma_wait3A_785 = tpu.memref_slice %arg9[%dma_wait3A_776, %dma_wait3A_783, %dma_wait3A_784] : memref<8x128x64xf32, #tpu.memory_space<vmem>> -> memref<1x128x64xf32, #tpu.memory_space<vmem>>
        %dma_wait3A_786 = tpu.memref_squeeze %dma_wait3A_785 : memref<1x128x64xf32, #tpu.memory_space<vmem>> -> memref<128x64xf32, #tpu.memory_space<vmem>>
        tpu.wait_dma2 semaphore(%arg12 : memref<!tpu.dma_semaphore, #tpu.memory_space<semaphore_mem>>) src(%dma_wait3A_786 : memref<128x64xf32, #tpu.memory_space<vmem>>) dst(%dma_wait3A_782 : memref<128x64xf32, #tpu.memory_space<hbm>>)
        %dma_wait3A_787 = arith.constant 2 : i32
        %dma_wait3A_788 = arith.constant 0 : i32
        %dma_wait3A_789 = arith.constant 0 : i32
        %dma_wait3A_790 = tpu.memref_slice %arg9[%dma_wait3A_787, %dma_wait3A_788, %dma_wait3A_789] : memref<8x128x64xf32, #tpu.memory_space<vmem>> -> memref<1x128x64xf32, #tpu.memory_space<vmem>>
        %dma_wait3A_791 = tpu.memref_squeeze %dma_wait3A_790 : memref<1x128x64xf32, #tpu.memory_space<vmem>> -> memref<128x64xf32, #tpu.memory_space<vmem>>
        %dma_wait3A_792 = tpu.memref_slice %arg6[%add3A_729, %mul3A_36] : memref<409600x128xf32, #tpu.memory_space<hbm>> -> memref<128x64xf32, #tpu.memory_space<hbm>>
        %dma_wait3A_793 = tpu.memref_slice %arg6[%add3A_729, %mul3A_36] : memref<409600x128xf32, #tpu.memory_space<hbm>> -> memref<128x64xf32, #tpu.memory_space<hbm>>
        %dma_wait3A_794 = arith.constant 0 : i32
        %dma_wait3A_795 = arith.constant 0 : i32
        %dma_wait3A_796 = tpu.memref_slice %arg9[%dma_wait3A_787, %dma_wait3A_794, %dma_wait3A_795] : memref<8x128x64xf32, #tpu.memory_space<vmem>> -> memref<1x128x64xf32, #tpu.memory_space<vmem>>
        %dma_wait3A_797 = tpu.memref_squeeze %dma_wait3A_796 : memref<1x128x64xf32, #tpu.memory_space<vmem>> -> memref<128x64xf32, #tpu.memory_space<vmem>>
        tpu.wait_dma2 semaphore(%arg12 : memref<!tpu.dma_semaphore, #tpu.memory_space<semaphore_mem>>) src(%dma_wait3A_797 : memref<128x64xf32, #tpu.memory_space<vmem>>) dst(%dma_wait3A_793 : memref<128x64xf32, #tpu.memory_space<hbm>>)
        %dma_wait3A_798 = arith.constant 3 : i32
        %dma_wait3A_799 = arith.constant 0 : i32
        %dma_wait3A_800 = arith.constant 0 : i32
        %dma_wait3A_801 = tpu.memref_slice %arg9[%dma_wait3A_798, %dma_wait3A_799, %dma_wait3A_800] : memref<8x128x64xf32, #tpu.memory_space<vmem>> -> memref<1x128x64xf32, #tpu.memory_space<vmem>>
        %dma_wait3A_802 = tpu.memref_squeeze %dma_wait3A_801 : memref<1x128x64xf32, #tpu.memory_space<vmem>> -> memref<128x64xf32, #tpu.memory_space<vmem>>
        %dma_wait3A_803 = tpu.memref_slice %arg6[%add3A_736, %mul3A_36] : memref<409600x128xf32, #tpu.memory_space<hbm>> -> memref<128x64xf32, #tpu.memory_space<hbm>>
        %dma_wait3A_804 = tpu.memref_slice %arg6[%add3A_736, %mul3A_36] : memref<409600x128xf32, #tpu.memory_space<hbm>> -> memref<128x64xf32, #tpu.memory_space<hbm>>
        %dma_wait3A_805 = arith.constant 0 : i32
        %dma_wait3A_806 = arith.constant 0 : i32
        %dma_wait3A_807 = tpu.memref_slice %arg9[%dma_wait3A_798, %dma_wait3A_805, %dma_wait3A_806] : memref<8x128x64xf32, #tpu.memory_space<vmem>> -> memref<1x128x64xf32, #tpu.memory_space<vmem>>
        %dma_wait3A_808 = tpu.memref_squeeze %dma_wait3A_807 : memref<1x128x64xf32, #tpu.memory_space<vmem>> -> memref<128x64xf32, #tpu.memory_space<vmem>>
        tpu.wait_dma2 semaphore(%arg12 : memref<!tpu.dma_semaphore, #tpu.memory_space<semaphore_mem>>) src(%dma_wait3A_808 : memref<128x64xf32, #tpu.memory_space<vmem>>) dst(%dma_wait3A_804 : memref<128x64xf32, #tpu.memory_space<hbm>>)
        %dma_wait3A_809 = arith.constant 4 : i32
        %dma_wait3A_810 = arith.constant 0 : i32
        %dma_wait3A_811 = arith.constant 0 : i32
        %dma_wait3A_812 = tpu.memref_slice %arg9[%dma_wait3A_809, %dma_wait3A_810, %dma_wait3A_811] : memref<8x128x64xf32, #tpu.memory_space<vmem>> -> memref<1x128x64xf32, #tpu.memory_space<vmem>>
        %dma_wait3A_813 = tpu.memref_squeeze %dma_wait3A_812 : memref<1x128x64xf32, #tpu.memory_space<vmem>> -> memref<128x64xf32, #tpu.memory_space<vmem>>
        %dma_wait3A_814 = tpu.memref_slice %arg6[%add3A_743, %mul3A_36] : memref<409600x128xf32, #tpu.memory_space<hbm>> -> memref<128x64xf32, #tpu.memory_space<hbm>>
        %dma_wait3A_815 = tpu.memref_slice %arg6[%add3A_743, %mul3A_36] : memref<409600x128xf32, #tpu.memory_space<hbm>> -> memref<128x64xf32, #tpu.memory_space<hbm>>
        %dma_wait3A_816 = arith.constant 0 : i32
        %dma_wait3A_817 = arith.constant 0 : i32
        %dma_wait3A_818 = tpu.memref_slice %arg9[%dma_wait3A_809, %dma_wait3A_816, %dma_wait3A_817] : memref<8x128x64xf32, #tpu.memory_space<vmem>> -> memref<1x128x64xf32, #tpu.memory_space<vmem>>
        %dma_wait3A_819 = tpu.memref_squeeze %dma_wait3A_818 : memref<1x128x64xf32, #tpu.memory_space<vmem>> -> memref<128x64xf32, #tpu.memory_space<vmem>>
        tpu.wait_dma2 semaphore(%arg12 : memref<!tpu.dma_semaphore, #tpu.memory_space<semaphore_mem>>) src(%dma_wait3A_819 : memref<128x64xf32, #tpu.memory_space<vmem>>) dst(%dma_wait3A_815 : memref<128x64xf32, #tpu.memory_space<hbm>>)
        %dma_wait3A_820 = arith.constant 5 : i32
        %dma_wait3A_821 = arith.constant 0 : i32
        %dma_wait3A_822 = arith.constant 0 : i32
        %dma_wait3A_823 = tpu.memref_slice %arg9[%dma_wait3A_820, %dma_wait3A_821, %dma_wait3A_822] : memref<8x128x64xf32, #tpu.memory_space<vmem>> -> memref<1x128x64xf32, #tpu.memory_space<vmem>>
        %dma_wait3A_824 = tpu.memref_squeeze %dma_wait3A_823 : memref<1x128x64xf32, #tpu.memory_space<vmem>> -> memref<128x64xf32, #tpu.memory_space<vmem>>
        %dma_wait3A_825 = tpu.memref_slice %arg6[%add3A_750, %mul3A_36] : memref<409600x128xf32, #tpu.memory_space<hbm>> -> memref<128x64xf32, #tpu.memory_space<hbm>>
        %dma_wait3A_826 = tpu.memref_slice %arg6[%add3A_750, %mul3A_36] : memref<409600x128xf32, #tpu.memory_space<hbm>> -> memref<128x64xf32, #tpu.memory_space<hbm>>
        %dma_wait3A_827 = arith.constant 0 : i32
        %dma_wait3A_828 = arith.constant 0 : i32
        %dma_wait3A_829 = tpu.memref_slice %arg9[%dma_wait3A_820, %dma_wait3A_827, %dma_wait3A_828] : memref<8x128x64xf32, #tpu.memory_space<vmem>> -> memref<1x128x64xf32, #tpu.memory_space<vmem>>
        %dma_wait3A_830 = tpu.memref_squeeze %dma_wait3A_829 : memref<1x128x64xf32, #tpu.memory_space<vmem>> -> memref<128x64xf32, #tpu.memory_space<vmem>>
        tpu.wait_dma2 semaphore(%arg12 : memref<!tpu.dma_semaphore, #tpu.memory_space<semaphore_mem>>) src(%dma_wait3A_830 : memref<128x64xf32, #tpu.memory_space<vmem>>) dst(%dma_wait3A_826 : memref<128x64xf32, #tpu.memory_space<hbm>>)
        %dma_wait3A_831 = arith.constant 6 : i32
        %dma_wait3A_832 = arith.constant 0 : i32
        %dma_wait3A_833 = arith.constant 0 : i32
        %dma_wait3A_834 = tpu.memref_slice %arg9[%dma_wait3A_831, %dma_wait3A_832, %dma_wait3A_833] : memref<8x128x64xf32, #tpu.memory_space<vmem>> -> memref<1x128x64xf32, #tpu.memory_space<vmem>>
        %dma_wait3A_835 = tpu.memref_squeeze %dma_wait3A_834 : memref<1x128x64xf32, #tpu.memory_space<vmem>> -> memref<128x64xf32, #tpu.memory_space<vmem>>
        %dma_wait3A_836 = tpu.memref_slice %arg6[%add3A_757, %mul3A_36] : memref<409600x128xf32, #tpu.memory_space<hbm>> -> memref<128x64xf32, #tpu.memory_space<hbm>>
        %dma_wait3A_837 = tpu.memref_slice %arg6[%add3A_757, %mul3A_36] : memref<409600x128xf32, #tpu.memory_space<hbm>> -> memref<128x64xf32, #tpu.memory_space<hbm>>
        %dma_wait3A_838 = arith.constant 0 : i32
        %dma_wait3A_839 = arith.constant 0 : i32
        %dma_wait3A_840 = tpu.memref_slice %arg9[%dma_wait3A_831, %dma_wait3A_838, %dma_wait3A_839] : memref<8x128x64xf32, #tpu.memory_space<vmem>> -> memref<1x128x64xf32, #tpu.memory_space<vmem>>
        %dma_wait3A_841 = tpu.memref_squeeze %dma_wait3A_840 : memref<1x128x64xf32, #tpu.memory_space<vmem>> -> memref<128x64xf32, #tpu.memory_space<vmem>>
        tpu.wait_dma2 semaphore(%arg12 : memref<!tpu.dma_semaphore, #tpu.memory_space<semaphore_mem>>) src(%dma_wait3A_841 : memref<128x64xf32, #tpu.memory_space<vmem>>) dst(%dma_wait3A_837 : memref<128x64xf32, #tpu.memory_space<hbm>>)
        %dma_wait3A_842 = arith.constant 7 : i32
        %dma_wait3A_843 = arith.constant 0 : i32
        %dma_wait3A_844 = arith.constant 0 : i32
        %dma_wait3A_845 = tpu.memref_slice %arg9[%dma_wait3A_842, %dma_wait3A_843, %dma_wait3A_844] : memref<8x128x64xf32, #tpu.memory_space<vmem>> -> memref<1x128x64xf32, #tpu.memory_space<vmem>>
        %dma_wait3A_846 = tpu.memref_squeeze %dma_wait3A_845 : memref<1x128x64xf32, #tpu.memory_space<vmem>> -> memref<128x64xf32, #tpu.memory_space<vmem>>
        %dma_wait3A_847 = tpu.memref_slice %arg6[%add3A_764, %mul3A_36] : memref<409600x128xf32, #tpu.memory_space<hbm>> -> memref<128x64xf32, #tpu.memory_space<hbm>>
        %dma_wait3A_848 = tpu.memref_slice %arg6[%add3A_764, %mul3A_36] : memref<409600x128xf32, #tpu.memory_space<hbm>> -> memref<128x64xf32, #tpu.memory_space<hbm>>
        %dma_wait3A_849 = arith.constant 0 : i32
        %dma_wait3A_850 = arith.constant 0 : i32
        %dma_wait3A_851 = tpu.memref_slice %arg9[%dma_wait3A_842, %dma_wait3A_849, %dma_wait3A_850] : memref<8x128x64xf32, #tpu.memory_space<vmem>> -> memref<1x128x64xf32, #tpu.memory_space<vmem>>
        %dma_wait3A_852 = tpu.memref_squeeze %dma_wait3A_851 : memref<1x128x64xf32, #tpu.memory_space<vmem>> -> memref<128x64xf32, #tpu.memory_space<vmem>>
        tpu.wait_dma2 semaphore(%arg12 : memref<!tpu.dma_semaphore, #tpu.memory_space<semaphore_mem>>) src(%dma_wait3A_852 : memref<128x64xf32, #tpu.memory_space<vmem>>) dst(%dma_wait3A_848 : memref<128x64xf32, #tpu.memory_space<hbm>>)
      } else {
      }
      %mul3A_148 = arith.constant 8 : i32
      %mul3A_149 = arith.muli %scan3A_145, %mul3A_148 : i32
      %add3A_150 = arith.constant 0 : i32
      %add3A_151 = arith.addi %mul3A_149, %add3A_150 : i32
      %dma_start3A = arith.constant 0 : i32
      %dma_start3A_152 = arith.constant 0 : i32
      %dma_start3A_153 = arith.constant 0 : i32
      %dma_start3A_154 = tpu.memref_slice %arg9[%dma_start3A, %dma_start3A_152, %dma_start3A_153] : memref<8x128x64xf32, #tpu.memory_space<vmem>> -> memref<1x128x64xf32, #tpu.memory_space<vmem>>
      %dma_start3A_155 = tpu.memref_squeeze %dma_start3A_154 : memref<1x128x64xf32, #tpu.memory_space<vmem>> -> memref<128x64xf32, #tpu.memory_space<vmem>>
      %dma_start3A_156 = arith.constant 0 : i32
      %dma_start3A_157 = tpu.memref_slice %arg8[%add3A_151, %dma_start3A_156] : memref<200x128xi32, #tpu.memory_space<vmem>> -> memref<1x128xi32, #tpu.memory_space<vmem>>
      %dma_start3A_158 = tpu.memref_squeeze %dma_start3A_157 : memref<1x128xi32, #tpu.memory_space<vmem>> -> memref<128xi32, #tpu.memory_space<vmem>>
      %dma_start3A_159 = arith.constant 0 : i32
      %dma_start3A_160 = arith.constant 0 : i32
      %dma_start3A_161 = tpu.memref_slice %arg3[%dma_start3A_159, %dma_start3A_160] : memref<1001x64xf32, #tpu.memory_space<hbm>> -> memref<1001x64xf32, #tpu.memory_space<hbm>>
      tpu.enqueue_indirect_dma source(%dma_start3A_161 : memref<1001x64xf32, #tpu.memory_space<hbm>>) target(%dma_start3A_155 : memref<128x64xf32, #tpu.memory_space<vmem>>) offsets(%dma_start3A_158 : memref<128xi32, #tpu.memory_space<vmem>>) semaphore(%arg10 : memref<!tpu.dma_semaphore, #tpu.memory_space<semaphore_mem>>)
      %mul3A_162 = arith.constant 8 : i32
      %mul3A_163 = arith.muli %scan3A_145, %mul3A_162 : i32
      %add3A_164 = arith.constant 1 : i32
      %add3A_165 = arith.addi %mul3A_163, %add3A_164 : i32
      %dma_start3A_166 = arith.constant 1 : i32
      %dma_start3A_167 = arith.constant 0 : i32
      %dma_start3A_168 = arith.constant 0 : i32
      %dma_start3A_169 = tpu.memref_slice %arg9[%dma_start3A_166, %dma_start3A_167, %dma_start3A_168] : memref<8x128x64xf32, #tpu.memory_space<vmem>> -> memref<1x128x64xf32, #tpu.memory_space<vmem>>
      %dma_start3A_170 = tpu.memref_squeeze %dma_start3A_169 : memref<1x128x64xf32, #tpu.memory_space<vmem>> -> memref<128x64xf32, #tpu.memory_space<vmem>>
      %dma_start3A_171 = arith.constant 0 : i32
      %dma_start3A_172 = tpu.memref_slice %arg8[%add3A_165, %dma_start3A_171] : memref<200x128xi32, #tpu.memory_space<vmem>> -> memref<1x128xi32, #tpu.memory_space<vmem>>
      %dma_start3A_173 = tpu.memref_squeeze %dma_start3A_172 : memref<1x128xi32, #tpu.memory_space<vmem>> -> memref<128xi32, #tpu.memory_space<vmem>>
      %dma_start3A_174 = arith.constant 0 : i32
      %dma_start3A_175 = arith.constant 0 : i32
      %dma_start3A_176 = tpu.memref_slice %arg3[%dma_start3A_174, %dma_start3A_175] : memref<1001x64xf32, #tpu.memory_space<hbm>> -> memref<1001x64xf32, #tpu.memory_space<hbm>>
      tpu.enqueue_indirect_dma source(%dma_start3A_176 : memref<1001x64xf32, #tpu.memory_space<hbm>>) target(%dma_start3A_170 : memref<128x64xf32, #tpu.memory_space<vmem>>) offsets(%dma_start3A_173 : memref<128xi32, #tpu.memory_space<vmem>>) semaphore(%arg10 : memref<!tpu.dma_semaphore, #tpu.memory_space<semaphore_mem>>)
      %mul3A_177 = arith.constant 8 : i32
      %mul3A_178 = arith.muli %scan3A_145, %mul3A_177 : i32
      %add3A_179 = arith.constant 2 : i32
      %add3A_180 = arith.addi %mul3A_178, %add3A_179 : i32
      %dma_start3A_181 = arith.constant 2 : i32
      %dma_start3A_182 = arith.constant 0 : i32
      %dma_start3A_183 = arith.constant 0 : i32
      %dma_start3A_184 = tpu.memref_slice %arg9[%dma_start3A_181, %dma_start3A_182, %dma_start3A_183] : memref<8x128x64xf32, #tpu.memory_space<vmem>> -> memref<1x128x64xf32, #tpu.memory_space<vmem>>
      %dma_start3A_185 = tpu.memref_squeeze %dma_start3A_184 : memref<1x128x64xf32, #tpu.memory_space<vmem>> -> memref<128x64xf32, #tpu.memory_space<vmem>>
      %dma_start3A_186 = arith.constant 0 : i32
      %dma_start3A_187 = tpu.memref_slice %arg8[%add3A_180, %dma_start3A_186] : memref<200x128xi32, #tpu.memory_space<vmem>> -> memref<1x128xi32, #tpu.memory_space<vmem>>
      %dma_start3A_188 = tpu.memref_squeeze %dma_start3A_187 : memref<1x128xi32, #tpu.memory_space<vmem>> -> memref<128xi32, #tpu.memory_space<vmem>>
      %dma_start3A_189 = arith.constant 0 : i32
      %dma_start3A_190 = arith.constant 0 : i32
      %dma_start3A_191 = tpu.memref_slice %arg3[%dma_start3A_189, %dma_start3A_190] : memref<1001x64xf32, #tpu.memory_space<hbm>> -> memref<1001x64xf32, #tpu.memory_space<hbm>>
      tpu.enqueue_indirect_dma source(%dma_start3A_191 : memref<1001x64xf32, #tpu.memory_space<hbm>>) target(%dma_start3A_185 : memref<128x64xf32, #tpu.memory_space<vmem>>) offsets(%dma_start3A_188 : memref<128xi32, #tpu.memory_space<vmem>>) semaphore(%arg10 : memref<!tpu.dma_semaphore, #tpu.memory_space<semaphore_mem>>)
      %mul3A_192 = arith.constant 8 : i32
      %mul3A_193 = arith.muli %scan3A_145, %mul3A_192 : i32
      %add3A_194 = arith.constant 3 : i32
      %add3A_195 = arith.addi %mul3A_193, %add3A_194 : i32
      %dma_start3A_196 = arith.constant 3 : i32
      %dma_start3A_197 = arith.constant 0 : i32
      %dma_start3A_198 = arith.constant 0 : i32
      %dma_start3A_199 = tpu.memref_slice %arg9[%dma_start3A_196, %dma_start3A_197, %dma_start3A_198] : memref<8x128x64xf32, #tpu.memory_space<vmem>> -> memref<1x128x64xf32, #tpu.memory_space<vmem>>
      %dma_start3A_200 = tpu.memref_squeeze %dma_start3A_199 : memref<1x128x64xf32, #tpu.memory_space<vmem>> -> memref<128x64xf32, #tpu.memory_space<vmem>>
      %dma_start3A_201 = arith.constant 0 : i32
      %dma_start3A_202 = tpu.memref_slice %arg8[%add3A_195, %dma_start3A_201] : memref<200x128xi32, #tpu.memory_space<vmem>> -> memref<1x128xi32, #tpu.memory_space<vmem>>
      %dma_start3A_203 = tpu.memref_squeeze %dma_start3A_202 : memref<1x128xi32, #tpu.memory_space<vmem>> -> memref<128xi32, #tpu.memory_space<vmem>>
      %dma_start3A_204 = arith.constant 0 : i32
      %dma_start3A_205 = arith.constant 0 : i32
      %dma_start3A_206 = tpu.memref_slice %arg3[%dma_start3A_204, %dma_start3A_205] : memref<1001x64xf32, #tpu.memory_space<hbm>> -> memref<1001x64xf32, #tpu.memory_space<hbm>>
      tpu.enqueue_indirect_dma source(%dma_start3A_206 : memref<1001x64xf32, #tpu.memory_space<hbm>>) target(%dma_start3A_200 : memref<128x64xf32, #tpu.memory_space<vmem>>) offsets(%dma_start3A_203 : memref<128xi32, #tpu.memory_space<vmem>>) semaphore(%arg10 : memref<!tpu.dma_semaphore, #tpu.memory_space<semaphore_mem>>)
      %mul3A_207 = arith.constant 8 : i32
      %mul3A_208 = arith.muli %scan3A_145, %mul3A_207 : i32
      %add3A_209 = arith.constant 4 : i32
      %add3A_210 = arith.addi %mul3A_208, %add3A_209 : i32
      %dma_start3A_211 = arith.constant 4 : i32
      %dma_start3A_212 = arith.constant 0 : i32
      %dma_start3A_213 = arith.constant 0 : i32
      %dma_start3A_214 = tpu.memref_slice %arg9[%dma_start3A_211, %dma_start3A_212, %dma_start3A_213] : memref<8x128x64xf32, #tpu.memory_space<vmem>> -> memref<1x128x64xf32, #tpu.memory_space<vmem>>
      %dma_start3A_215 = tpu.memref_squeeze %dma_start3A_214 : memref<1x128x64xf32, #tpu.memory_space<vmem>> -> memref<128x64xf32, #tpu.memory_space<vmem>>
      %dma_start3A_216 = arith.constant 0 : i32
      %dma_start3A_217 = tpu.memref_slice %arg8[%add3A_210, %dma_start3A_216] : memref<200x128xi32, #tpu.memory_space<vmem>> -> memref<1x128xi32, #tpu.memory_space<vmem>>
      %dma_start3A_218 = tpu.memref_squeeze %dma_start3A_217 : memref<1x128xi32, #tpu.memory_space<vmem>> -> memref<128xi32, #tpu.memory_space<vmem>>
      %dma_start3A_219 = arith.constant 0 : i32
      %dma_start3A_220 = arith.constant 0 : i32
      %dma_start3A_221 = tpu.memref_slice %arg3[%dma_start3A_219, %dma_start3A_220] : memref<1001x64xf32, #tpu.memory_space<hbm>> -> memref<1001x64xf32, #tpu.memory_space<hbm>>
      tpu.enqueue_indirect_dma source(%dma_start3A_221 : memref<1001x64xf32, #tpu.memory_space<hbm>>) target(%dma_start3A_215 : memref<128x64xf32, #tpu.memory_space<vmem>>) offsets(%dma_start3A_218 : memref<128xi32, #tpu.memory_space<vmem>>) semaphore(%arg10 : memref<!tpu.dma_semaphore, #tpu.memory_space<semaphore_mem>>)
      %mul3A_222 = arith.constant 8 : i32
      %mul3A_223 = arith.muli %scan3A_145, %mul3A_222 : i32
      %add3A_224 = arith.constant 5 : i32
      %add3A_225 = arith.addi %mul3A_223, %add3A_224 : i32
      %dma_start3A_226 = arith.constant 5 : i32
      %dma_start3A_227 = arith.constant 0 : i32
      %dma_start3A_228 = arith.constant 0 : i32
      %dma_start3A_229 = tpu.memref_slice %arg9[%dma_start3A_226, %dma_start3A_227, %dma_start3A_228] : memref<8x128x64xf32, #tpu.memory_space<vmem>> -> memref<1x128x64xf32, #tpu.memory_space<vmem>>
      %dma_start3A_230 = tpu.memref_squeeze %dma_start3A_229 : memref<1x128x64xf32, #tpu.memory_space<vmem>> -> memref<128x64xf32, #tpu.memory_space<vmem>>
      %dma_start3A_231 = arith.constant 0 : i32
      %dma_start3A_232 = tpu.memref_slice %arg8[%add3A_225, %dma_start3A_231] : memref<200x128xi32, #tpu.memory_space<vmem>> -> memref<1x128xi32, #tpu.memory_space<vmem>>
      %dma_start3A_233 = tpu.memref_squeeze %dma_start3A_232 : memref<1x128xi32, #tpu.memory_space<vmem>> -> memref<128xi32, #tpu.memory_space<vmem>>
      %dma_start3A_234 = arith.constant 0 : i32
      %dma_start3A_235 = arith.constant 0 : i32
      %dma_start3A_236 = tpu.memref_slice %arg3[%dma_start3A_234, %dma_start3A_235] : memref<1001x64xf32, #tpu.memory_space<hbm>> -> memref<1001x64xf32, #tpu.memory_space<hbm>>
      tpu.enqueue_indirect_dma source(%dma_start3A_236 : memref<1001x64xf32, #tpu.memory_space<hbm>>) target(%dma_start3A_230 : memref<128x64xf32, #tpu.memory_space<vmem>>) offsets(%dma_start3A_233 : memref<128xi32, #tpu.memory_space<vmem>>) semaphore(%arg10 : memref<!tpu.dma_semaphore, #tpu.memory_space<semaphore_mem>>)
      %mul3A_237 = arith.constant 8 : i32
      %mul3A_238 = arith.muli %scan3A_145, %mul3A_237 : i32
      %add3A_239 = arith.constant 6 : i32
      %add3A_240 = arith.addi %mul3A_238, %add3A_239 : i32
      %dma_start3A_241 = arith.constant 6 : i32
      %dma_start3A_242 = arith.constant 0 : i32
      %dma_start3A_243 = arith.constant 0 : i32
      %dma_start3A_244 = tpu.memref_slice %arg9[%dma_start3A_241, %dma_start3A_242, %dma_start3A_243] : memref<8x128x64xf32, #tpu.memory_space<vmem>> -> memref<1x128x64xf32, #tpu.memory_space<vmem>>
      %dma_start3A_245 = tpu.memref_squeeze %dma_start3A_244 : memref<1x128x64xf32, #tpu.memory_space<vmem>> -> memref<128x64xf32, #tpu.memory_space<vmem>>
      %dma_start3A_246 = arith.constant 0 : i32
      %dma_start3A_247 = tpu.memref_slice %arg8[%add3A_240, %dma_start3A_246] : memref<200x128xi32, #tpu.memory_space<vmem>> -> memref<1x128xi32, #tpu.memory_space<vmem>>
      %dma_start3A_248 = tpu.memref_squeeze %dma_start3A_247 : memref<1x128xi32, #tpu.memory_space<vmem>> -> memref<128xi32, #tpu.memory_space<vmem>>
      %dma_start3A_249 = arith.constant 0 : i32
      %dma_start3A_250 = arith.constant 0 : i32
      %dma_start3A_251 = tpu.memref_slice %arg3[%dma_start3A_249, %dma_start3A_250] : memref<1001x64xf32, #tpu.memory_space<hbm>> -> memref<1001x64xf32, #tpu.memory_space<hbm>>
      tpu.enqueue_indirect_dma source(%dma_start3A_251 : memref<1001x64xf32, #tpu.memory_space<hbm>>) target(%dma_start3A_245 : memref<128x64xf32, #tpu.memory_space<vmem>>) offsets(%dma_start3A_248 : memref<128xi32, #tpu.memory_space<vmem>>) semaphore(%arg10 : memref<!tpu.dma_semaphore, #tpu.memory_space<semaphore_mem>>)
      %mul3A_252 = arith.constant 8 : i32
      %mul3A_253 = arith.muli %scan3A_145, %mul3A_252 : i32
      %add3A_254 = arith.constant 7 : i32
      %add3A_255 = arith.addi %mul3A_253, %add3A_254 : i32
      %dma_start3A_256 = arith.constant 7 : i32
      %dma_start3A_257 = arith.constant 0 : i32
      %dma_start3A_258 = arith.constant 0 : i32
      %dma_start3A_259 = tpu.memref_slice %arg9[%dma_start3A_256, %dma_start3A_257, %dma_start3A_258] : memref<8x128x64xf32, #tpu.memory_space<vmem>> -> memref<1x128x64xf32, #tpu.memory_space<vmem>>
      %dma_start3A_260 = tpu.memref_squeeze %dma_start3A_259 : memref<1x128x64xf32, #tpu.memory_space<vmem>> -> memref<128x64xf32, #tpu.memory_space<vmem>>
      %dma_start3A_261 = arith.constant 0 : i32
      %dma_start3A_262 = tpu.memref_slice %arg8[%add3A_255, %dma_start3A_261] : memref<200x128xi32, #tpu.memory_space<vmem>> -> memref<1x128xi32, #tpu.memory_space<vmem>>
      %dma_start3A_263 = tpu.memref_squeeze %dma_start3A_262 : memref<1x128xi32, #tpu.memory_space<vmem>> -> memref<128xi32, #tpu.memory_space<vmem>>
      %dma_start3A_264 = arith.constant 0 : i32
      %dma_start3A_265 = arith.constant 0 : i32
      %dma_start3A_266 = tpu.memref_slice %arg3[%dma_start3A_264, %dma_start3A_265] : memref<1001x64xf32, #tpu.memory_space<hbm>> -> memref<1001x64xf32, #tpu.memory_space<hbm>>
      tpu.enqueue_indirect_dma source(%dma_start3A_266 : memref<1001x64xf32, #tpu.memory_space<hbm>>) target(%dma_start3A_260 : memref<128x64xf32, #tpu.memory_space<vmem>>) offsets(%dma_start3A_263 : memref<128xi32, #tpu.memory_space<vmem>>) semaphore(%arg10 : memref<!tpu.dma_semaphore, #tpu.memory_space<semaphore_mem>>)
      %dma_wait3A_267 = arith.constant 0 : i32
      %dma_wait3A_268 = arith.constant 0 : i32
      %dma_wait3A_269 = arith.constant 0 : i32
      %dma_wait3A_270 = tpu.memref_slice %arg9[%dma_wait3A_267, %dma_wait3A_268, %dma_wait3A_269] : memref<8x128x64xf32, #tpu.memory_space<vmem>> -> memref<1x128x64xf32, #tpu.memory_space<vmem>>
      %dma_wait3A_271 = tpu.memref_squeeze %dma_wait3A_270 : memref<1x128x64xf32, #tpu.memory_space<vmem>> -> memref<128x64xf32, #tpu.memory_space<vmem>>
      %dma_wait3A_272 = arith.constant 0 : i32
      %dma_wait3A_273 = tpu.memref_slice %arg8[%add3A_151, %dma_wait3A_272] : memref<200x128xi32, #tpu.memory_space<vmem>> -> memref<1x128xi32, #tpu.memory_space<vmem>>
      %dma_wait3A_274 = tpu.memref_squeeze %dma_wait3A_273 : memref<1x128xi32, #tpu.memory_space<vmem>> -> memref<128xi32, #tpu.memory_space<vmem>>
      %dma_wait3A_275 = arith.constant 0 : i32
      %dma_wait3A_276 = arith.constant 0 : i32
      %dma_wait3A_277 = tpu.memref_slice %arg3[%dma_wait3A_275, %dma_wait3A_276] : memref<1001x64xf32, #tpu.memory_space<hbm>> -> memref<1001x64xf32, #tpu.memory_space<hbm>>
      tpu.wait_indirect_dma semaphore(%arg10 : memref<!tpu.dma_semaphore, #tpu.memory_space<semaphore_mem>>) src(%dma_wait3A_277 : memref<1001x64xf32, #tpu.memory_space<hbm>>) dst(%dma_wait3A_271 : memref<128x64xf32, #tpu.memory_space<vmem>>)
      %dma_wait3A_278 = arith.constant 1 : i32
      %dma_wait3A_279 = arith.constant 0 : i32
      %dma_wait3A_280 = arith.constant 0 : i32
      %dma_wait3A_281 = tpu.memref_slice %arg9[%dma_wait3A_278, %dma_wait3A_279, %dma_wait3A_280] : memref<8x128x64xf32, #tpu.memory_space<vmem>> -> memref<1x128x64xf32, #tpu.memory_space<vmem>>
      %dma_wait3A_282 = tpu.memref_squeeze %dma_wait3A_281 : memref<1x128x64xf32, #tpu.memory_space<vmem>> -> memref<128x64xf32, #tpu.memory_space<vmem>>
      %dma_wait3A_283 = arith.constant 0 : i32
      %dma_wait3A_284 = tpu.memref_slice %arg8[%add3A_165, %dma_wait3A_283] : memref<200x128xi32, #tpu.memory_space<vmem>> -> memref<1x128xi32, #tpu.memory_space<vmem>>
      %dma_wait3A_285 = tpu.memref_squeeze %dma_wait3A_284 : memref<1x128xi32, #tpu.memory_space<vmem>> -> memref<128xi32, #tpu.memory_space<vmem>>
      %dma_wait3A_286 = arith.constant 0 : i32
      %dma_wait3A_287 = arith.constant 0 : i32
      %dma_wait3A_288 = tpu.memref_slice %arg3[%dma_wait3A_286, %dma_wait3A_287] : memref<1001x64xf32, #tpu.memory_space<hbm>> -> memref<1001x64xf32, #tpu.memory_space<hbm>>
      tpu.wait_indirect_dma semaphore(%arg10 : memref<!tpu.dma_semaphore, #tpu.memory_space<semaphore_mem>>) src(%dma_wait3A_288 : memref<1001x64xf32, #tpu.memory_space<hbm>>) dst(%dma_wait3A_282 : memref<128x64xf32, #tpu.memory_space<vmem>>)
      %dma_wait3A_289 = arith.constant 2 : i32
      %dma_wait3A_290 = arith.constant 0 : i32
      %dma_wait3A_291 = arith.constant 0 : i32
      %dma_wait3A_292 = tpu.memref_slice %arg9[%dma_wait3A_289, %dma_wait3A_290, %dma_wait3A_291] : memref<8x128x64xf32, #tpu.memory_space<vmem>> -> memref<1x128x64xf32, #tpu.memory_space<vmem>>
      %dma_wait3A_293 = tpu.memref_squeeze %dma_wait3A_292 : memref<1x128x64xf32, #tpu.memory_space<vmem>> -> memref<128x64xf32, #tpu.memory_space<vmem>>
      %dma_wait3A_294 = arith.constant 0 : i32
      %dma_wait3A_295 = tpu.memref_slice %arg8[%add3A_180, %dma_wait3A_294] : memref<200x128xi32, #tpu.memory_space<vmem>> -> memref<1x128xi32, #tpu.memory_space<vmem>>
      %dma_wait3A_296 = tpu.memref_squeeze %dma_wait3A_295 : memref<1x128xi32, #tpu.memory_space<vmem>> -> memref<128xi32, #tpu.memory_space<vmem>>
      %dma_wait3A_297 = arith.constant 0 : i32
      %dma_wait3A_298 = arith.constant 0 : i32
      %dma_wait3A_299 = tpu.memref_slice %arg3[%dma_wait3A_297, %dma_wait3A_298] : memref<1001x64xf32, #tpu.memory_space<hbm>> -> memref<1001x64xf32, #tpu.memory_space<hbm>>
      tpu.wait_indirect_dma semaphore(%arg10 : memref<!tpu.dma_semaphore, #tpu.memory_space<semaphore_mem>>) src(%dma_wait3A_299 : memref<1001x64xf32, #tpu.memory_space<hbm>>) dst(%dma_wait3A_293 : memref<128x64xf32, #tpu.memory_space<vmem>>)
      %dma_wait3A_300 = arith.constant 3 : i32
      %dma_wait3A_301 = arith.constant 0 : i32
      %dma_wait3A_302 = arith.constant 0 : i32
      %dma_wait3A_303 = tpu.memref_slice %arg9[%dma_wait3A_300, %dma_wait3A_301, %dma_wait3A_302] : memref<8x128x64xf32, #tpu.memory_space<vmem>> -> memref<1x128x64xf32, #tpu.memory_space<vmem>>
      %dma_wait3A_304 = tpu.memref_squeeze %dma_wait3A_303 : memref<1x128x64xf32, #tpu.memory_space<vmem>> -> memref<128x64xf32, #tpu.memory_space<vmem>>
      %dma_wait3A_305 = arith.constant 0 : i32
      %dma_wait3A_306 = tpu.memref_slice %arg8[%add3A_195, %dma_wait3A_305] : memref<200x128xi32, #tpu.memory_space<vmem>> -> memref<1x128xi32, #tpu.memory_space<vmem>>
      %dma_wait3A_307 = tpu.memref_squeeze %dma_wait3A_306 : memref<1x128xi32, #tpu.memory_space<vmem>> -> memref<128xi32, #tpu.memory_space<vmem>>
      %dma_wait3A_308 = arith.constant 0 : i32
      %dma_wait3A_309 = arith.constant 0 : i32
      %dma_wait3A_310 = tpu.memref_slice %arg3[%dma_wait3A_308, %dma_wait3A_309] : memref<1001x64xf32, #tpu.memory_space<hbm>> -> memref<1001x64xf32, #tpu.memory_space<hbm>>
      tpu.wait_indirect_dma semaphore(%arg10 : memref<!tpu.dma_semaphore, #tpu.memory_space<semaphore_mem>>) src(%dma_wait3A_310 : memref<1001x64xf32, #tpu.memory_space<hbm>>) dst(%dma_wait3A_304 : memref<128x64xf32, #tpu.memory_space<vmem>>)
      %dma_wait3A_311 = arith.constant 4 : i32
      %dma_wait3A_312 = arith.constant 0 : i32
      %dma_wait3A_313 = arith.constant 0 : i32
      %dma_wait3A_314 = tpu.memref_slice %arg9[%dma_wait3A_311, %dma_wait3A_312, %dma_wait3A_313] : memref<8x128x64xf32, #tpu.memory_space<vmem>> -> memref<1x128x64xf32, #tpu.memory_space<vmem>>
      %dma_wait3A_315 = tpu.memref_squeeze %dma_wait3A_314 : memref<1x128x64xf32, #tpu.memory_space<vmem>> -> memref<128x64xf32, #tpu.memory_space<vmem>>
      %dma_wait3A_316 = arith.constant 0 : i32
      %dma_wait3A_317 = tpu.memref_slice %arg8[%add3A_210, %dma_wait3A_316] : memref<200x128xi32, #tpu.memory_space<vmem>> -> memref<1x128xi32, #tpu.memory_space<vmem>>
      %dma_wait3A_318 = tpu.memref_squeeze %dma_wait3A_317 : memref<1x128xi32, #tpu.memory_space<vmem>> -> memref<128xi32, #tpu.memory_space<vmem>>
      %dma_wait3A_319 = arith.constant 0 : i32
      %dma_wait3A_320 = arith.constant 0 : i32
      %dma_wait3A_321 = tpu.memref_slice %arg3[%dma_wait3A_319, %dma_wait3A_320] : memref<1001x64xf32, #tpu.memory_space<hbm>> -> memref<1001x64xf32, #tpu.memory_space<hbm>>
      tpu.wait_indirect_dma semaphore(%arg10 : memref<!tpu.dma_semaphore, #tpu.memory_space<semaphore_mem>>) src(%dma_wait3A_321 : memref<1001x64xf32, #tpu.memory_space<hbm>>) dst(%dma_wait3A_315 : memref<128x64xf32, #tpu.memory_space<vmem>>)
      %dma_wait3A_322 = arith.constant 5 : i32
      %dma_wait3A_323 = arith.constant 0 : i32
      %dma_wait3A_324 = arith.constant 0 : i32
      %dma_wait3A_325 = tpu.memref_slice %arg9[%dma_wait3A_322, %dma_wait3A_323, %dma_wait3A_324] : memref<8x128x64xf32, #tpu.memory_space<vmem>> -> memref<1x128x64xf32, #tpu.memory_space<vmem>>
      %dma_wait3A_326 = tpu.memref_squeeze %dma_wait3A_325 : memref<1x128x64xf32, #tpu.memory_space<vmem>> -> memref<128x64xf32, #tpu.memory_space<vmem>>
      %dma_wait3A_327 = arith.constant 0 : i32
      %dma_wait3A_328 = tpu.memref_slice %arg8[%add3A_225, %dma_wait3A_327] : memref<200x128xi32, #tpu.memory_space<vmem>> -> memref<1x128xi32, #tpu.memory_space<vmem>>
      %dma_wait3A_329 = tpu.memref_squeeze %dma_wait3A_328 : memref<1x128xi32, #tpu.memory_space<vmem>> -> memref<128xi32, #tpu.memory_space<vmem>>
      %dma_wait3A_330 = arith.constant 0 : i32
      %dma_wait3A_331 = arith.constant 0 : i32
      %dma_wait3A_332 = tpu.memref_slice %arg3[%dma_wait3A_330, %dma_wait3A_331] : memref<1001x64xf32, #tpu.memory_space<hbm>> -> memref<1001x64xf32, #tpu.memory_space<hbm>>
      tpu.wait_indirect_dma semaphore(%arg10 : memref<!tpu.dma_semaphore, #tpu.memory_space<semaphore_mem>>) src(%dma_wait3A_332 : memref<1001x64xf32, #tpu.memory_space<hbm>>) dst(%dma_wait3A_326 : memref<128x64xf32, #tpu.memory_space<vmem>>)
      %dma_wait3A_333 = arith.constant 6 : i32
      %dma_wait3A_334 = arith.constant 0 : i32
      %dma_wait3A_335 = arith.constant 0 : i32
      %dma_wait3A_336 = tpu.memref_slice %arg9[%dma_wait3A_333, %dma_wait3A_334, %dma_wait3A_335] : memref<8x128x64xf32, #tpu.memory_space<vmem>> -> memref<1x128x64xf32, #tpu.memory_space<vmem>>
      %dma_wait3A_337 = tpu.memref_squeeze %dma_wait3A_336 : memref<1x128x64xf32, #tpu.memory_space<vmem>> -> memref<128x64xf32, #tpu.memory_space<vmem>>
      %dma_wait3A_338 = arith.constant 0 : i32
      %dma_wait3A_339 = tpu.memref_slice %arg8[%add3A_240, %dma_wait3A_338] : memref<200x128xi32, #tpu.memory_space<vmem>> -> memref<1x128xi32, #tpu.memory_space<vmem>>
      %dma_wait3A_340 = tpu.memref_squeeze %dma_wait3A_339 : memref<1x128xi32, #tpu.memory_space<vmem>> -> memref<128xi32, #tpu.memory_space<vmem>>
      %dma_wait3A_341 = arith.constant 0 : i32
      %dma_wait3A_342 = arith.constant 0 : i32
      %dma_wait3A_343 = tpu.memref_slice %arg3[%dma_wait3A_341, %dma_wait3A_342] : memref<1001x64xf32, #tpu.memory_space<hbm>> -> memref<1001x64xf32, #tpu.memory_space<hbm>>
      tpu.wait_indirect_dma semaphore(%arg10 : memref<!tpu.dma_semaphore, #tpu.memory_space<semaphore_mem>>) src(%dma_wait3A_343 : memref<1001x64xf32, #tpu.memory_space<hbm>>) dst(%dma_wait3A_337 : memref<128x64xf32, #tpu.memory_space<vmem>>)
      %dma_wait3A_344 = arith.constant 7 : i32
      %dma_wait3A_345 = arith.constant 0 : i32
      %dma_wait3A_346 = arith.constant 0 : i32
      %dma_wait3A_347 = tpu.memref_slice %arg9[%dma_wait3A_344, %dma_wait3A_345, %dma_wait3A_346] : memref<8x128x64xf32, #tpu.memory_space<vmem>> -> memref<1x128x64xf32, #tpu.memory_space<vmem>>
      %dma_wait3A_348 = tpu.memref_squeeze %dma_wait3A_347 : memref<1x128x64xf32, #tpu.memory_space<vmem>> -> memref<128x64xf32, #tpu.memory_space<vmem>>
      %dma_wait3A_349 = arith.constant 0 : i32
      %dma_wait3A_350 = tpu.memref_slice %arg8[%add3A_255, %dma_wait3A_349] : memref<200x128xi32, #tpu.memory_space<vmem>> -> memref<1x128xi32, #tpu.memory_space<vmem>>
      %dma_wait3A_351 = tpu.memref_squeeze %dma_wait3A_350 : memref<1x128xi32, #tpu.memory_space<vmem>> -> memref<128xi32, #tpu.memory_space<vmem>>
      %dma_wait3A_352 = arith.constant 0 : i32
      %dma_wait3A_353 = arith.constant 0 : i32
      %dma_wait3A_354 = tpu.memref_slice %arg3[%dma_wait3A_352, %dma_wait3A_353] : memref<1001x64xf32, #tpu.memory_space<hbm>> -> memref<1001x64xf32, #tpu.memory_space<hbm>>
      tpu.wait_indirect_dma semaphore(%arg10 : memref<!tpu.dma_semaphore, #tpu.memory_space<semaphore_mem>>) src(%dma_wait3A_354 : memref<1001x64xf32, #tpu.memory_space<hbm>>) dst(%dma_wait3A_348 : memref<128x64xf32, #tpu.memory_space<vmem>>)
      %mul3A_355 = arith.constant 8 : i32
      %mul3A_356 = arith.muli %scan3A_145, %mul3A_355 : i32
      %add3A_357 = arith.constant 0 : i32
      %add3A_358 = arith.addi %mul3A_356, %add3A_357 : i32
      %dma_start3A_359 = arith.constant 0 : i32
      %dma_start3A_360 = arith.constant 0 : i32
      %dma_start3A_361 = arith.constant 0 : i32
      %dma_start3A_362 = tpu.memref_slice %arg9[%dma_start3A_359, %dma_start3A_360, %dma_start3A_361] : memref<8x128x64xf32, #tpu.memory_space<vmem>> -> memref<1x128x64xf32, #tpu.memory_space<vmem>>
      %dma_start3A_363 = tpu.memref_squeeze %dma_start3A_362 : memref<1x128x64xf32, #tpu.memory_space<vmem>> -> memref<128x64xf32, #tpu.memory_space<vmem>>
      %dma_start3A_364 = arith.constant 0 : i32
      %dma_start3A_365 = tpu.memref_slice %arg7[%add3A_358, %dma_start3A_364] : memref<200x128xi32, #tpu.memory_space<vmem>> -> memref<1x128xi32, #tpu.memory_space<vmem>>
      %dma_start3A_366 = tpu.memref_squeeze %dma_start3A_365 : memref<1x128xi32, #tpu.memory_space<vmem>> -> memref<128xi32, #tpu.memory_space<vmem>>
      %dma_start3A_367 = arith.constant 0 : i32
      %dma_start3A_368 = arith.constant 0 : i32
      %dma_start3A_369 = tpu.memref_slice %arg2[%dma_start3A_367, %dma_start3A_368] : memref<1000001x64xf32, #tpu.memory_space<hbm>> -> memref<1000001x64xf32, #tpu.memory_space<hbm>>
      tpu.enqueue_indirect_dma source(%dma_start3A_369 : memref<1000001x64xf32, #tpu.memory_space<hbm>>) target(%dma_start3A_363 : memref<128x64xf32, #tpu.memory_space<vmem>>) offsets(%dma_start3A_366 : memref<128xi32, #tpu.memory_space<vmem>>) semaphore(%arg11 : memref<!tpu.dma_semaphore, #tpu.memory_space<semaphore_mem>>) {add = true}
      %mul3A_370 = arith.constant 8 : i32
      %mul3A_371 = arith.muli %scan3A_145, %mul3A_370 : i32
      %add3A_372 = arith.constant 1 : i32
      %add3A_373 = arith.addi %mul3A_371, %add3A_372 : i32
      %dma_start3A_374 = arith.constant 1 : i32
      %dma_start3A_375 = arith.constant 0 : i32
      %dma_start3A_376 = arith.constant 0 : i32
      %dma_start3A_377 = tpu.memref_slice %arg9[%dma_start3A_374, %dma_start3A_375, %dma_start3A_376] : memref<8x128x64xf32, #tpu.memory_space<vmem>> -> memref<1x128x64xf32, #tpu.memory_space<vmem>>
      %dma_start3A_378 = tpu.memref_squeeze %dma_start3A_377 : memref<1x128x64xf32, #tpu.memory_space<vmem>> -> memref<128x64xf32, #tpu.memory_space<vmem>>
      %dma_start3A_379 = arith.constant 0 : i32
      %dma_start3A_380 = tpu.memref_slice %arg7[%add3A_373, %dma_start3A_379] : memref<200x128xi32, #tpu.memory_space<vmem>> -> memref<1x128xi32, #tpu.memory_space<vmem>>
      %dma_start3A_381 = tpu.memref_squeeze %dma_start3A_380 : memref<1x128xi32, #tpu.memory_space<vmem>> -> memref<128xi32, #tpu.memory_space<vmem>>
      %dma_start3A_382 = arith.constant 0 : i32
      %dma_start3A_383 = arith.constant 0 : i32
      %dma_start3A_384 = tpu.memref_slice %arg2[%dma_start3A_382, %dma_start3A_383] : memref<1000001x64xf32, #tpu.memory_space<hbm>> -> memref<1000001x64xf32, #tpu.memory_space<hbm>>
      tpu.enqueue_indirect_dma source(%dma_start3A_384 : memref<1000001x64xf32, #tpu.memory_space<hbm>>) target(%dma_start3A_378 : memref<128x64xf32, #tpu.memory_space<vmem>>) offsets(%dma_start3A_381 : memref<128xi32, #tpu.memory_space<vmem>>) semaphore(%arg11 : memref<!tpu.dma_semaphore, #tpu.memory_space<semaphore_mem>>) {add = true}
      %mul3A_385 = arith.constant 8 : i32
      %mul3A_386 = arith.muli %scan3A_145, %mul3A_385 : i32
      %add3A_387 = arith.constant 2 : i32
      %add3A_388 = arith.addi %mul3A_386, %add3A_387 : i32
      %dma_start3A_389 = arith.constant 2 : i32
      %dma_start3A_390 = arith.constant 0 : i32
      %dma_start3A_391 = arith.constant 0 : i32
      %dma_start3A_392 = tpu.memref_slice %arg9[%dma_start3A_389, %dma_start3A_390, %dma_start3A_391] : memref<8x128x64xf32, #tpu.memory_space<vmem>> -> memref<1x128x64xf32, #tpu.memory_space<vmem>>
      %dma_start3A_393 = tpu.memref_squeeze %dma_start3A_392 : memref<1x128x64xf32, #tpu.memory_space<vmem>> -> memref<128x64xf32, #tpu.memory_space<vmem>>
      %dma_start3A_394 = arith.constant 0 : i32
      %dma_start3A_395 = tpu.memref_slice %arg7[%add3A_388, %dma_start3A_394] : memref<200x128xi32, #tpu.memory_space<vmem>> -> memref<1x128xi32, #tpu.memory_space<vmem>>
      %dma_start3A_396 = tpu.memref_squeeze %dma_start3A_395 : memref<1x128xi32, #tpu.memory_space<vmem>> -> memref<128xi32, #tpu.memory_space<vmem>>
      %dma_start3A_397 = arith.constant 0 : i32
      %dma_start3A_398 = arith.constant 0 : i32
      %dma_start3A_399 = tpu.memref_slice %arg2[%dma_start3A_397, %dma_start3A_398] : memref<1000001x64xf32, #tpu.memory_space<hbm>> -> memref<1000001x64xf32, #tpu.memory_space<hbm>>
      tpu.enqueue_indirect_dma source(%dma_start3A_399 : memref<1000001x64xf32, #tpu.memory_space<hbm>>) target(%dma_start3A_393 : memref<128x64xf32, #tpu.memory_space<vmem>>) offsets(%dma_start3A_396 : memref<128xi32, #tpu.memory_space<vmem>>) semaphore(%arg11 : memref<!tpu.dma_semaphore, #tpu.memory_space<semaphore_mem>>) {add = true}
      %mul3A_400 = arith.constant 8 : i32
      %mul3A_401 = arith.muli %scan3A_145, %mul3A_400 : i32
      %add3A_402 = arith.constant 3 : i32
      %add3A_403 = arith.addi %mul3A_401, %add3A_402 : i32
      %dma_start3A_404 = arith.constant 3 : i32
      %dma_start3A_405 = arith.constant 0 : i32
      %dma_start3A_406 = arith.constant 0 : i32
      %dma_start3A_407 = tpu.memref_slice %arg9[%dma_start3A_404, %dma_start3A_405, %dma_start3A_406] : memref<8x128x64xf32, #tpu.memory_space<vmem>> -> memref<1x128x64xf32, #tpu.memory_space<vmem>>
      %dma_start3A_408 = tpu.memref_squeeze %dma_start3A_407 : memref<1x128x64xf32, #tpu.memory_space<vmem>> -> memref<128x64xf32, #tpu.memory_space<vmem>>
      %dma_start3A_409 = arith.constant 0 : i32
      %dma_start3A_410 = tpu.memref_slice %arg7[%add3A_403, %dma_start3A_409] : memref<200x128xi32, #tpu.memory_space<vmem>> -> memref<1x128xi32, #tpu.memory_space<vmem>>
      %dma_start3A_411 = tpu.memref_squeeze %dma_start3A_410 : memref<1x128xi32, #tpu.memory_space<vmem>> -> memref<128xi32, #tpu.memory_space<vmem>>
      %dma_start3A_412 = arith.constant 0 : i32
      %dma_start3A_413 = arith.constant 0 : i32
      %dma_start3A_414 = tpu.memref_slice %arg2[%dma_start3A_412, %dma_start3A_413] : memref<1000001x64xf32, #tpu.memory_space<hbm>> -> memref<1000001x64xf32, #tpu.memory_space<hbm>>
      tpu.enqueue_indirect_dma source(%dma_start3A_414 : memref<1000001x64xf32, #tpu.memory_space<hbm>>) target(%dma_start3A_408 : memref<128x64xf32, #tpu.memory_space<vmem>>) offsets(%dma_start3A_411 : memref<128xi32, #tpu.memory_space<vmem>>) semaphore(%arg11 : memref<!tpu.dma_semaphore, #tpu.memory_space<semaphore_mem>>) {add = true}
      %mul3A_415 = arith.constant 8 : i32
      %mul3A_416 = arith.muli %scan3A_145, %mul3A_415 : i32
      %add3A_417 = arith.constant 4 : i32
      %add3A_418 = arith.addi %mul3A_416, %add3A_417 : i32
      %dma_start3A_419 = arith.constant 4 : i32
      %dma_start3A_420 = arith.constant 0 : i32
      %dma_start3A_421 = arith.constant 0 : i32
      %dma_start3A_422 = tpu.memref_slice %arg9[%dma_start3A_419, %dma_start3A_420, %dma_start3A_421] : memref<8x128x64xf32, #tpu.memory_space<vmem>> -> memref<1x128x64xf32, #tpu.memory_space<vmem>>
      %dma_start3A_423 = tpu.memref_squeeze %dma_start3A_422 : memref<1x128x64xf32, #tpu.memory_space<vmem>> -> memref<128x64xf32, #tpu.memory_space<vmem>>
      %dma_start3A_424 = arith.constant 0 : i32
      %dma_start3A_425 = tpu.memref_slice %arg7[%add3A_418, %dma_start3A_424] : memref<200x128xi32, #tpu.memory_space<vmem>> -> memref<1x128xi32, #tpu.memory_space<vmem>>
      %dma_start3A_426 = tpu.memref_squeeze %dma_start3A_425 : memref<1x128xi32, #tpu.memory_space<vmem>> -> memref<128xi32, #tpu.memory_space<vmem>>
      %dma_start3A_427 = arith.constant 0 : i32
      %dma_start3A_428 = arith.constant 0 : i32
      %dma_start3A_429 = tpu.memref_slice %arg2[%dma_start3A_427, %dma_start3A_428] : memref<1000001x64xf32, #tpu.memory_space<hbm>> -> memref<1000001x64xf32, #tpu.memory_space<hbm>>
      tpu.enqueue_indirect_dma source(%dma_start3A_429 : memref<1000001x64xf32, #tpu.memory_space<hbm>>) target(%dma_start3A_423 : memref<128x64xf32, #tpu.memory_space<vmem>>) offsets(%dma_start3A_426 : memref<128xi32, #tpu.memory_space<vmem>>) semaphore(%arg11 : memref<!tpu.dma_semaphore, #tpu.memory_space<semaphore_mem>>) {add = true}
      %mul3A_430 = arith.constant 8 : i32
      %mul3A_431 = arith.muli %scan3A_145, %mul3A_430 : i32
      %add3A_432 = arith.constant 5 : i32
      %add3A_433 = arith.addi %mul3A_431, %add3A_432 : i32
      %dma_start3A_434 = arith.constant 5 : i32
      %dma_start3A_435 = arith.constant 0 : i32
      %dma_start3A_436 = arith.constant 0 : i32
      %dma_start3A_437 = tpu.memref_slice %arg9[%dma_start3A_434, %dma_start3A_435, %dma_start3A_436] : memref<8x128x64xf32, #tpu.memory_space<vmem>> -> memref<1x128x64xf32, #tpu.memory_space<vmem>>
      %dma_start3A_438 = tpu.memref_squeeze %dma_start3A_437 : memref<1x128x64xf32, #tpu.memory_space<vmem>> -> memref<128x64xf32, #tpu.memory_space<vmem>>
      %dma_start3A_439 = arith.constant 0 : i32
      %dma_start3A_440 = tpu.memref_slice %arg7[%add3A_433, %dma_start3A_439] : memref<200x128xi32, #tpu.memory_space<vmem>> -> memref<1x128xi32, #tpu.memory_space<vmem>>
      %dma_start3A_441 = tpu.memref_squeeze %dma_start3A_440 : memref<1x128xi32, #tpu.memory_space<vmem>> -> memref<128xi32, #tpu.memory_space<vmem>>
      %dma_start3A_442 = arith.constant 0 : i32
      %dma_start3A_443 = arith.constant 0 : i32
      %dma_start3A_444 = tpu.memref_slice %arg2[%dma_start3A_442, %dma_start3A_443] : memref<1000001x64xf32, #tpu.memory_space<hbm>> -> memref<1000001x64xf32, #tpu.memory_space<hbm>>
      tpu.enqueue_indirect_dma source(%dma_start3A_444 : memref<1000001x64xf32, #tpu.memory_space<hbm>>) target(%dma_start3A_438 : memref<128x64xf32, #tpu.memory_space<vmem>>) offsets(%dma_start3A_441 : memref<128xi32, #tpu.memory_space<vmem>>) semaphore(%arg11 : memref<!tpu.dma_semaphore, #tpu.memory_space<semaphore_mem>>) {add = true}
      %mul3A_445 = arith.constant 8 : i32
      %mul3A_446 = arith.muli %scan3A_145, %mul3A_445 : i32
      %add3A_447 = arith.constant 6 : i32
      %add3A_448 = arith.addi %mul3A_446, %add3A_447 : i32
      %dma_start3A_449 = arith.constant 6 : i32
      %dma_start3A_450 = arith.constant 0 : i32
      %dma_start3A_451 = arith.constant 0 : i32
      %dma_start3A_452 = tpu.memref_slice %arg9[%dma_start3A_449, %dma_start3A_450, %dma_start3A_451] : memref<8x128x64xf32, #tpu.memory_space<vmem>> -> memref<1x128x64xf32, #tpu.memory_space<vmem>>
      %dma_start3A_453 = tpu.memref_squeeze %dma_start3A_452 : memref<1x128x64xf32, #tpu.memory_space<vmem>> -> memref<128x64xf32, #tpu.memory_space<vmem>>
      %dma_start3A_454 = arith.constant 0 : i32
      %dma_start3A_455 = tpu.memref_slice %arg7[%add3A_448, %dma_start3A_454] : memref<200x128xi32, #tpu.memory_space<vmem>> -> memref<1x128xi32, #tpu.memory_space<vmem>>
      %dma_start3A_456 = tpu.memref_squeeze %dma_start3A_455 : memref<1x128xi32, #tpu.memory_space<vmem>> -> memref<128xi32, #tpu.memory_space<vmem>>
      %dma_start3A_457 = arith.constant 0 : i32
      %dma_start3A_458 = arith.constant 0 : i32
      %dma_start3A_459 = tpu.memref_slice %arg2[%dma_start3A_457, %dma_start3A_458] : memref<1000001x64xf32, #tpu.memory_space<hbm>> -> memref<1000001x64xf32, #tpu.memory_space<hbm>>
      tpu.enqueue_indirect_dma source(%dma_start3A_459 : memref<1000001x64xf32, #tpu.memory_space<hbm>>) target(%dma_start3A_453 : memref<128x64xf32, #tpu.memory_space<vmem>>) offsets(%dma_start3A_456 : memref<128xi32, #tpu.memory_space<vmem>>) semaphore(%arg11 : memref<!tpu.dma_semaphore, #tpu.memory_space<semaphore_mem>>) {add = true}
      %mul3A_460 = arith.constant 8 : i32
      %mul3A_461 = arith.muli %scan3A_145, %mul3A_460 : i32
      %add3A_462 = arith.constant 7 : i32
      %add3A_463 = arith.addi %mul3A_461, %add3A_462 : i32
      %dma_start3A_464 = arith.constant 7 : i32
      %dma_start3A_465 = arith.constant 0 : i32
      %dma_start3A_466 = arith.constant 0 : i32
      %dma_start3A_467 = tpu.memref_slice %arg9[%dma_start3A_464, %dma_start3A_465, %dma_start3A_466] : memref<8x128x64xf32, #tpu.memory_space<vmem>> -> memref<1x128x64xf32, #tpu.memory_space<vmem>>
      %dma_start3A_468 = tpu.memref_squeeze %dma_start3A_467 : memref<1x128x64xf32, #tpu.memory_space<vmem>> -> memref<128x64xf32, #tpu.memory_space<vmem>>
      %dma_start3A_469 = arith.constant 0 : i32
      %dma_start3A_470 = tpu.memref_slice %arg7[%add3A_463, %dma_start3A_469] : memref<200x128xi32, #tpu.memory_space<vmem>> -> memref<1x128xi32, #tpu.memory_space<vmem>>
      %dma_start3A_471 = tpu.memref_squeeze %dma_start3A_470 : memref<1x128xi32, #tpu.memory_space<vmem>> -> memref<128xi32, #tpu.memory_space<vmem>>
      %dma_start3A_472 = arith.constant 0 : i32
      %dma_start3A_473 = arith.constant 0 : i32
      %dma_start3A_474 = tpu.memref_slice %arg2[%dma_start3A_472, %dma_start3A_473] : memref<1000001x64xf32, #tpu.memory_space<hbm>> -> memref<1000001x64xf32, #tpu.memory_space<hbm>>
      tpu.enqueue_indirect_dma source(%dma_start3A_474 : memref<1000001x64xf32, #tpu.memory_space<hbm>>) target(%dma_start3A_468 : memref<128x64xf32, #tpu.memory_space<vmem>>) offsets(%dma_start3A_471 : memref<128xi32, #tpu.memory_space<vmem>>) semaphore(%arg11 : memref<!tpu.dma_semaphore, #tpu.memory_space<semaphore_mem>>) {add = true}
      %dma_wait3A_475 = arith.constant 0 : i32
      %dma_wait3A_476 = arith.constant 0 : i32
      %dma_wait3A_477 = arith.constant 0 : i32
      %dma_wait3A_478 = tpu.memref_slice %arg9[%dma_wait3A_475, %dma_wait3A_476, %dma_wait3A_477] : memref<8x128x64xf32, #tpu.memory_space<vmem>> -> memref<1x128x64xf32, #tpu.memory_space<vmem>>
      %dma_wait3A_479 = tpu.memref_squeeze %dma_wait3A_478 : memref<1x128x64xf32, #tpu.memory_space<vmem>> -> memref<128x64xf32, #tpu.memory_space<vmem>>
      %dma_wait3A_480 = arith.constant 0 : i32
      %dma_wait3A_481 = tpu.memref_slice %arg7[%add3A_358, %dma_wait3A_480] : memref<200x128xi32, #tpu.memory_space<vmem>> -> memref<1x128xi32, #tpu.memory_space<vmem>>
      %dma_wait3A_482 = tpu.memref_squeeze %dma_wait3A_481 : memref<1x128xi32, #tpu.memory_space<vmem>> -> memref<128xi32, #tpu.memory_space<vmem>>
      %dma_wait3A_483 = arith.constant 0 : i32
      %dma_wait3A_484 = arith.constant 0 : i32
      %dma_wait3A_485 = tpu.memref_slice %arg2[%dma_wait3A_483, %dma_wait3A_484] : memref<1000001x64xf32, #tpu.memory_space<hbm>> -> memref<1000001x64xf32, #tpu.memory_space<hbm>>
      tpu.wait_indirect_dma semaphore(%arg11 : memref<!tpu.dma_semaphore, #tpu.memory_space<semaphore_mem>>) src(%dma_wait3A_485 : memref<1000001x64xf32, #tpu.memory_space<hbm>>) dst(%dma_wait3A_479 : memref<128x64xf32, #tpu.memory_space<vmem>>)
      %dma_wait3A_486 = arith.constant 1 : i32
      %dma_wait3A_487 = arith.constant 0 : i32
      %dma_wait3A_488 = arith.constant 0 : i32
      %dma_wait3A_489 = tpu.memref_slice %arg9[%dma_wait3A_486, %dma_wait3A_487, %dma_wait3A_488] : memref<8x128x64xf32, #tpu.memory_space<vmem>> -> memref<1x128x64xf32, #tpu.memory_space<vmem>>
      %dma_wait3A_490 = tpu.memref_squeeze %dma_wait3A_489 : memref<1x128x64xf32, #tpu.memory_space<vmem>> -> memref<128x64xf32, #tpu.memory_space<vmem>>
      %dma_wait3A_491 = arith.constant 0 : i32
      %dma_wait3A_492 = tpu.memref_slice %arg7[%add3A_373, %dma_wait3A_491] : memref<200x128xi32, #tpu.memory_space<vmem>> -> memref<1x128xi32, #tpu.memory_space<vmem>>
      %dma_wait3A_493 = tpu.memref_squeeze %dma_wait3A_492 : memref<1x128xi32, #tpu.memory_space<vmem>> -> memref<128xi32, #tpu.memory_space<vmem>>
      %dma_wait3A_494 = arith.constant 0 : i32
      %dma_wait3A_495 = arith.constant 0 : i32
      %dma_wait3A_496 = tpu.memref_slice %arg2[%dma_wait3A_494, %dma_wait3A_495] : memref<1000001x64xf32, #tpu.memory_space<hbm>> -> memref<1000001x64xf32, #tpu.memory_space<hbm>>
      tpu.wait_indirect_dma semaphore(%arg11 : memref<!tpu.dma_semaphore, #tpu.memory_space<semaphore_mem>>) src(%dma_wait3A_496 : memref<1000001x64xf32, #tpu.memory_space<hbm>>) dst(%dma_wait3A_490 : memref<128x64xf32, #tpu.memory_space<vmem>>)
      %dma_wait3A_497 = arith.constant 2 : i32
      %dma_wait3A_498 = arith.constant 0 : i32
      %dma_wait3A_499 = arith.constant 0 : i32
      %dma_wait3A_500 = tpu.memref_slice %arg9[%dma_wait3A_497, %dma_wait3A_498, %dma_wait3A_499] : memref<8x128x64xf32, #tpu.memory_space<vmem>> -> memref<1x128x64xf32, #tpu.memory_space<vmem>>
      %dma_wait3A_501 = tpu.memref_squeeze %dma_wait3A_500 : memref<1x128x64xf32, #tpu.memory_space<vmem>> -> memref<128x64xf32, #tpu.memory_space<vmem>>
      %dma_wait3A_502 = arith.constant 0 : i32
      %dma_wait3A_503 = tpu.memref_slice %arg7[%add3A_388, %dma_wait3A_502] : memref<200x128xi32, #tpu.memory_space<vmem>> -> memref<1x128xi32, #tpu.memory_space<vmem>>
      %dma_wait3A_504 = tpu.memref_squeeze %dma_wait3A_503 : memref<1x128xi32, #tpu.memory_space<vmem>> -> memref<128xi32, #tpu.memory_space<vmem>>
      %dma_wait3A_505 = arith.constant 0 : i32
      %dma_wait3A_506 = arith.constant 0 : i32
      %dma_wait3A_507 = tpu.memref_slice %arg2[%dma_wait3A_505, %dma_wait3A_506] : memref<1000001x64xf32, #tpu.memory_space<hbm>> -> memref<1000001x64xf32, #tpu.memory_space<hbm>>
      tpu.wait_indirect_dma semaphore(%arg11 : memref<!tpu.dma_semaphore, #tpu.memory_space<semaphore_mem>>) src(%dma_wait3A_507 : memref<1000001x64xf32, #tpu.memory_space<hbm>>) dst(%dma_wait3A_501 : memref<128x64xf32, #tpu.memory_space<vmem>>)
      %dma_wait3A_508 = arith.constant 3 : i32
      %dma_wait3A_509 = arith.constant 0 : i32
      %dma_wait3A_510 = arith.constant 0 : i32
      %dma_wait3A_511 = tpu.memref_slice %arg9[%dma_wait3A_508, %dma_wait3A_509, %dma_wait3A_510] : memref<8x128x64xf32, #tpu.memory_space<vmem>> -> memref<1x128x64xf32, #tpu.memory_space<vmem>>
      %dma_wait3A_512 = tpu.memref_squeeze %dma_wait3A_511 : memref<1x128x64xf32, #tpu.memory_space<vmem>> -> memref<128x64xf32, #tpu.memory_space<vmem>>
      %dma_wait3A_513 = arith.constant 0 : i32
      %dma_wait3A_514 = tpu.memref_slice %arg7[%add3A_403, %dma_wait3A_513] : memref<200x128xi32, #tpu.memory_space<vmem>> -> memref<1x128xi32, #tpu.memory_space<vmem>>
      %dma_wait3A_515 = tpu.memref_squeeze %dma_wait3A_514 : memref<1x128xi32, #tpu.memory_space<vmem>> -> memref<128xi32, #tpu.memory_space<vmem>>
      %dma_wait3A_516 = arith.constant 0 : i32
      %dma_wait3A_517 = arith.constant 0 : i32
      %dma_wait3A_518 = tpu.memref_slice %arg2[%dma_wait3A_516, %dma_wait3A_517] : memref<1000001x64xf32, #tpu.memory_space<hbm>> -> memref<1000001x64xf32, #tpu.memory_space<hbm>>
      tpu.wait_indirect_dma semaphore(%arg11 : memref<!tpu.dma_semaphore, #tpu.memory_space<semaphore_mem>>) src(%dma_wait3A_518 : memref<1000001x64xf32, #tpu.memory_space<hbm>>) dst(%dma_wait3A_512 : memref<128x64xf32, #tpu.memory_space<vmem>>)
      %dma_wait3A_519 = arith.constant 4 : i32
      %dma_wait3A_520 = arith.constant 0 : i32
      %dma_wait3A_521 = arith.constant 0 : i32
      %dma_wait3A_522 = tpu.memref_slice %arg9[%dma_wait3A_519, %dma_wait3A_520, %dma_wait3A_521] : memref<8x128x64xf32, #tpu.memory_space<vmem>> -> memref<1x128x64xf32, #tpu.memory_space<vmem>>
      %dma_wait3A_523 = tpu.memref_squeeze %dma_wait3A_522 : memref<1x128x64xf32, #tpu.memory_space<vmem>> -> memref<128x64xf32, #tpu.memory_space<vmem>>
      %dma_wait3A_524 = arith.constant 0 : i32
      %dma_wait3A_525 = tpu.memref_slice %arg7[%add3A_418, %dma_wait3A_524] : memref<200x128xi32, #tpu.memory_space<vmem>> -> memref<1x128xi32, #tpu.memory_space<vmem>>
      %dma_wait3A_526 = tpu.memref_squeeze %dma_wait3A_525 : memref<1x128xi32, #tpu.memory_space<vmem>> -> memref<128xi32, #tpu.memory_space<vmem>>
      %dma_wait3A_527 = arith.constant 0 : i32
      %dma_wait3A_528 = arith.constant 0 : i32
      %dma_wait3A_529 = tpu.memref_slice %arg2[%dma_wait3A_527, %dma_wait3A_528] : memref<1000001x64xf32, #tpu.memory_space<hbm>> -> memref<1000001x64xf32, #tpu.memory_space<hbm>>
      tpu.wait_indirect_dma semaphore(%arg11 : memref<!tpu.dma_semaphore, #tpu.memory_space<semaphore_mem>>) src(%dma_wait3A_529 : memref<1000001x64xf32, #tpu.memory_space<hbm>>) dst(%dma_wait3A_523 : memref<128x64xf32, #tpu.memory_space<vmem>>)
      %dma_wait3A_530 = arith.constant 5 : i32
      %dma_wait3A_531 = arith.constant 0 : i32
      %dma_wait3A_532 = arith.constant 0 : i32
      %dma_wait3A_533 = tpu.memref_slice %arg9[%dma_wait3A_530, %dma_wait3A_531, %dma_wait3A_532] : memref<8x128x64xf32, #tpu.memory_space<vmem>> -> memref<1x128x64xf32, #tpu.memory_space<vmem>>
      %dma_wait3A_534 = tpu.memref_squeeze %dma_wait3A_533 : memref<1x128x64xf32, #tpu.memory_space<vmem>> -> memref<128x64xf32, #tpu.memory_space<vmem>>
      %dma_wait3A_535 = arith.constant 0 : i32
      %dma_wait3A_536 = tpu.memref_slice %arg7[%add3A_433, %dma_wait3A_535] : memref<200x128xi32, #tpu.memory_space<vmem>> -> memref<1x128xi32, #tpu.memory_space<vmem>>
      %dma_wait3A_537 = tpu.memref_squeeze %dma_wait3A_536 : memref<1x128xi32, #tpu.memory_space<vmem>> -> memref<128xi32, #tpu.memory_space<vmem>>
      %dma_wait3A_538 = arith.constant 0 : i32
      %dma_wait3A_539 = arith.constant 0 : i32
      %dma_wait3A_540 = tpu.memref_slice %arg2[%dma_wait3A_538, %dma_wait3A_539] : memref<1000001x64xf32, #tpu.memory_space<hbm>> -> memref<1000001x64xf32, #tpu.memory_space<hbm>>
      tpu.wait_indirect_dma semaphore(%arg11 : memref<!tpu.dma_semaphore, #tpu.memory_space<semaphore_mem>>) src(%dma_wait3A_540 : memref<1000001x64xf32, #tpu.memory_space<hbm>>) dst(%dma_wait3A_534 : memref<128x64xf32, #tpu.memory_space<vmem>>)
      %dma_wait3A_541 = arith.constant 6 : i32
      %dma_wait3A_542 = arith.constant 0 : i32
      %dma_wait3A_543 = arith.constant 0 : i32
      %dma_wait3A_544 = tpu.memref_slice %arg9[%dma_wait3A_541, %dma_wait3A_542, %dma_wait3A_543] : memref<8x128x64xf32, #tpu.memory_space<vmem>> -> memref<1x128x64xf32, #tpu.memory_space<vmem>>
      %dma_wait3A_545 = tpu.memref_squeeze %dma_wait3A_544 : memref<1x128x64xf32, #tpu.memory_space<vmem>> -> memref<128x64xf32, #tpu.memory_space<vmem>>
      %dma_wait3A_546 = arith.constant 0 : i32
      %dma_wait3A_547 = tpu.memref_slice %arg7[%add3A_448, %dma_wait3A_546] : memref<200x128xi32, #tpu.memory_space<vmem>> -> memref<1x128xi32, #tpu.memory_space<vmem>>
      %dma_wait3A_548 = tpu.memref_squeeze %dma_wait3A_547 : memref<1x128xi32, #tpu.memory_space<vmem>> -> memref<128xi32, #tpu.memory_space<vmem>>
      %dma_wait3A_549 = arith.constant 0 : i32
      %dma_wait3A_550 = arith.constant 0 : i32
      %dma_wait3A_551 = tpu.memref_slice %arg2[%dma_wait3A_549, %dma_wait3A_550] : memref<1000001x64xf32, #tpu.memory_space<hbm>> -> memref<1000001x64xf32, #tpu.memory_space<hbm>>
      tpu.wait_indirect_dma semaphore(%arg11 : memref<!tpu.dma_semaphore, #tpu.memory_space<semaphore_mem>>) src(%dma_wait3A_551 : memref<1000001x64xf32, #tpu.memory_space<hbm>>) dst(%dma_wait3A_545 : memref<128x64xf32, #tpu.memory_space<vmem>>)
      %dma_wait3A_552 = arith.constant 7 : i32
      %dma_wait3A_553 = arith.constant 0 : i32
      %dma_wait3A_554 = arith.constant 0 : i32
      %dma_wait3A_555 = tpu.memref_slice %arg9[%dma_wait3A_552, %dma_wait3A_553, %dma_wait3A_554] : memref<8x128x64xf32, #tpu.memory_space<vmem>> -> memref<1x128x64xf32, #tpu.memory_space<vmem>>
      %dma_wait3A_556 = tpu.memref_squeeze %dma_wait3A_555 : memref<1x128x64xf32, #tpu.memory_space<vmem>> -> memref<128x64xf32, #tpu.memory_space<vmem>>
      %dma_wait3A_557 = arith.constant 0 : i32
      %dma_wait3A_558 = tpu.memref_slice %arg7[%add3A_463, %dma_wait3A_557] : memref<200x128xi32, #tpu.memory_space<vmem>> -> memref<1x128xi32, #tpu.memory_space<vmem>>
      %dma_wait3A_559 = tpu.memref_squeeze %dma_wait3A_558 : memref<1x128xi32, #tpu.memory_space<vmem>> -> memref<128xi32, #tpu.memory_space<vmem>>
      %dma_wait3A_560 = arith.constant 0 : i32
      %dma_wait3A_561 = arith.constant 0 : i32
      %dma_wait3A_562 = tpu.memref_slice %arg2[%dma_wait3A_560, %dma_wait3A_561] : memref<1000001x64xf32, #tpu.memory_space<hbm>> -> memref<1000001x64xf32, #tpu.memory_space<hbm>>
      tpu.wait_indirect_dma semaphore(%arg11 : memref<!tpu.dma_semaphore, #tpu.memory_space<semaphore_mem>>) src(%dma_wait3A_562 : memref<1000001x64xf32, #tpu.memory_space<hbm>>) dst(%dma_wait3A_556 : memref<128x64xf32, #tpu.memory_space<vmem>>)
      %mul3A_563 = arith.constant 8 : i32
      %mul3A_564 = arith.muli %scan3A_145, %mul3A_563 : i32
      %add3A_565 = arith.constant 0 : i32
      %add3A_566 = arith.addi %mul3A_564, %add3A_565 : i32
      %mul3A_567 = arith.constant 128 : i32
      %mul3A_568 = arith.muli %add3A_566, %mul3A_567 : i32
      %add3A_569 = arith.addi %mul3A_13, %mul3A_568 : i32
      %mul3A_570 = arith.constant 8 : i32
      %mul3A_571 = arith.muli %scan3A_145, %mul3A_570 : i32
      %add3A_572 = arith.constant 1 : i32
      %add3A_573 = arith.addi %mul3A_571, %add3A_572 : i32
      %mul3A_574 = arith.constant 128 : i32
      %mul3A_575 = arith.muli %add3A_573, %mul3A_574 : i32
      %add3A_576 = arith.addi %mul3A_13, %mul3A_575 : i32
      %mul3A_577 = arith.constant 8 : i32
      %mul3A_578 = arith.muli %scan3A_145, %mul3A_577 : i32
      %add3A_579 = arith.constant 2 : i32
      %add3A_580 = arith.addi %mul3A_578, %add3A_579 : i32
      %mul3A_581 = arith.constant 128 : i32
      %mul3A_582 = arith.muli %add3A_580, %mul3A_581 : i32
      %add3A_583 = arith.addi %mul3A_13, %mul3A_582 : i32
      %mul3A_584 = arith.constant 8 : i32
      %mul3A_585 = arith.muli %scan3A_145, %mul3A_584 : i32
      %add3A_586 = arith.constant 3 : i32
      %add3A_587 = arith.addi %mul3A_585, %add3A_586 : i32
      %mul3A_588 = arith.constant 128 : i32
      %mul3A_589 = arith.muli %add3A_587, %mul3A_588 : i32
      %add3A_590 = arith.addi %mul3A_13, %mul3A_589 : i32
      %mul3A_591 = arith.constant 8 : i32
      %mul3A_592 = arith.muli %scan3A_145, %mul3A_591 : i32
      %add3A_593 = arith.constant 4 : i32
      %add3A_594 = arith.addi %mul3A_592, %add3A_593 : i32
      %mul3A_595 = arith.constant 128 : i32
      %mul3A_596 = arith.muli %add3A_594, %mul3A_595 : i32
      %add3A_597 = arith.addi %mul3A_13, %mul3A_596 : i32
      %mul3A_598 = arith.constant 8 : i32
      %mul3A_599 = arith.muli %scan3A_145, %mul3A_598 : i32
      %add3A_600 = arith.constant 5 : i32
      %add3A_601 = arith.addi %mul3A_599, %add3A_600 : i32
      %mul3A_602 = arith.constant 128 : i32
      %mul3A_603 = arith.muli %add3A_601, %mul3A_602 : i32
      %add3A_604 = arith.addi %mul3A_13, %mul3A_603 : i32
      %mul3A_605 = arith.constant 8 : i32
      %mul3A_606 = arith.muli %scan3A_145, %mul3A_605 : i32
      %add3A_607 = arith.constant 6 : i32
      %add3A_608 = arith.addi %mul3A_606, %add3A_607 : i32
      %mul3A_609 = arith.constant 128 : i32
      %mul3A_610 = arith.muli %add3A_608, %mul3A_609 : i32
      %add3A_611 = arith.addi %mul3A_13, %mul3A_610 : i32
      %mul3A_612 = arith.constant 8 : i32
      %mul3A_613 = arith.muli %scan3A_145, %mul3A_612 : i32
      %add3A_614 = arith.constant 7 : i32
      %add3A_615 = arith.addi %mul3A_613, %add3A_614 : i32
      %mul3A_616 = arith.constant 128 : i32
      %mul3A_617 = arith.muli %add3A_615, %mul3A_616 : i32
      %add3A_618 = arith.addi %mul3A_13, %mul3A_617 : i32
      %dma_start3A_619 = arith.constant 0 : i32
      %dma_start3A_620 = arith.constant 0 : i32
      %dma_start3A_621 = arith.constant 0 : i32
      %dma_start3A_622 = tpu.memref_slice %arg9[%dma_start3A_619, %dma_start3A_620, %dma_start3A_621] : memref<8x128x64xf32, #tpu.memory_space<vmem>> -> memref<1x128x64xf32, #tpu.memory_space<vmem>>
      %dma_start3A_623 = tpu.memref_squeeze %dma_start3A_622 : memref<1x128x64xf32, #tpu.memory_space<vmem>> -> memref<128x64xf32, #tpu.memory_space<vmem>>
      %dma_start3A_624 = tpu.memref_slice %arg6[%add3A_569, %mul3A_36] : memref<409600x128xf32, #tpu.memory_space<hbm>> -> memref<128x64xf32, #tpu.memory_space<hbm>>
      %dma_start3A_625 = tpu.memref_slice %arg6[%add3A_569, %mul3A_36] : memref<409600x128xf32, #tpu.memory_space<hbm>> -> memref<128x64xf32, #tpu.memory_space<hbm>>
      %dma_start3A_626 = arith.constant 0 : i32
      %dma_start3A_627 = arith.constant 0 : i32
      %dma_start3A_628 = tpu.memref_slice %arg9[%dma_start3A_619, %dma_start3A_626, %dma_start3A_627] : memref<8x128x64xf32, #tpu.memory_space<vmem>> -> memref<1x128x64xf32, #tpu.memory_space<vmem>>
      %dma_start3A_629 = tpu.memref_squeeze %dma_start3A_628 : memref<1x128x64xf32, #tpu.memory_space<vmem>> -> memref<128x64xf32, #tpu.memory_space<vmem>>
      tpu.enqueue_dma source(%dma_start3A_629 : memref<128x64xf32, #tpu.memory_space<vmem>>) target(%dma_start3A_625 : memref<128x64xf32, #tpu.memory_space<hbm>>) target_semaphore(%arg12 : memref<!tpu.dma_semaphore, #tpu.memory_space<semaphore_mem>>)
      %dma_start3A_630 = arith.constant 1 : i32
      %dma_start3A_631 = arith.constant 0 : i32
      %dma_start3A_632 = arith.constant 0 : i32
      %dma_start3A_633 = tpu.memref_slice %arg9[%dma_start3A_630, %dma_start3A_631, %dma_start3A_632] : memref<8x128x64xf32, #tpu.memory_space<vmem>> -> memref<1x128x64xf32, #tpu.memory_space<vmem>>
      %dma_start3A_634 = tpu.memref_squeeze %dma_start3A_633 : memref<1x128x64xf32, #tpu.memory_space<vmem>> -> memref<128x64xf32, #tpu.memory_space<vmem>>
      %dma_start3A_635 = tpu.memref_slice %arg6[%add3A_576, %mul3A_36] : memref<409600x128xf32, #tpu.memory_space<hbm>> -> memref<128x64xf32, #tpu.memory_space<hbm>>
      %dma_start3A_636 = tpu.memref_slice %arg6[%add3A_576, %mul3A_36] : memref<409600x128xf32, #tpu.memory_space<hbm>> -> memref<128x64xf32, #tpu.memory_space<hbm>>
      %dma_start3A_637 = arith.constant 0 : i32
      %dma_start3A_638 = arith.constant 0 : i32
      %dma_start3A_639 = tpu.memref_slice %arg9[%dma_start3A_630, %dma_start3A_637, %dma_start3A_638] : memref<8x128x64xf32, #tpu.memory_space<vmem>> -> memref<1x128x64xf32, #tpu.memory_space<vmem>>
      %dma_start3A_640 = tpu.memref_squeeze %dma_start3A_639 : memref<1x128x64xf32, #tpu.memory_space<vmem>> -> memref<128x64xf32, #tpu.memory_space<vmem>>
      tpu.enqueue_dma source(%dma_start3A_640 : memref<128x64xf32, #tpu.memory_space<vmem>>) target(%dma_start3A_636 : memref<128x64xf32, #tpu.memory_space<hbm>>) target_semaphore(%arg12 : memref<!tpu.dma_semaphore, #tpu.memory_space<semaphore_mem>>)
      %dma_start3A_641 = arith.constant 2 : i32
      %dma_start3A_642 = arith.constant 0 : i32
      %dma_start3A_643 = arith.constant 0 : i32
      %dma_start3A_644 = tpu.memref_slice %arg9[%dma_start3A_641, %dma_start3A_642, %dma_start3A_643] : memref<8x128x64xf32, #tpu.memory_space<vmem>> -> memref<1x128x64xf32, #tpu.memory_space<vmem>>
      %dma_start3A_645 = tpu.memref_squeeze %dma_start3A_644 : memref<1x128x64xf32, #tpu.memory_space<vmem>> -> memref<128x64xf32, #tpu.memory_space<vmem>>
      %dma_start3A_646 = tpu.memref_slice %arg6[%add3A_583, %mul3A_36] : memref<409600x128xf32, #tpu.memory_space<hbm>> -> memref<128x64xf32, #tpu.memory_space<hbm>>
      %dma_start3A_647 = tpu.memref_slice %arg6[%add3A_583, %mul3A_36] : memref<409600x128xf32, #tpu.memory_space<hbm>> -> memref<128x64xf32, #tpu.memory_space<hbm>>
      %dma_start3A_648 = arith.constant 0 : i32
      %dma_start3A_649 = arith.constant 0 : i32
      %dma_start3A_650 = tpu.memref_slice %arg9[%dma_start3A_641, %dma_start3A_648, %dma_start3A_649] : memref<8x128x64xf32, #tpu.memory_space<vmem>> -> memref<1x128x64xf32, #tpu.memory_space<vmem>>
      %dma_start3A_651 = tpu.memref_squeeze %dma_start3A_650 : memref<1x128x64xf32, #tpu.memory_space<vmem>> -> memref<128x64xf32, #tpu.memory_space<vmem>>
      tpu.enqueue_dma source(%dma_start3A_651 : memref<128x64xf32, #tpu.memory_space<vmem>>) target(%dma_start3A_647 : memref<128x64xf32, #tpu.memory_space<hbm>>) target_semaphore(%arg12 : memref<!tpu.dma_semaphore, #tpu.memory_space<semaphore_mem>>)
      %dma_start3A_652 = arith.constant 3 : i32
      %dma_start3A_653 = arith.constant 0 : i32
      %dma_start3A_654 = arith.constant 0 : i32
      %dma_start3A_655 = tpu.memref_slice %arg9[%dma_start3A_652, %dma_start3A_653, %dma_start3A_654] : memref<8x128x64xf32, #tpu.memory_space<vmem>> -> memref<1x128x64xf32, #tpu.memory_space<vmem>>
      %dma_start3A_656 = tpu.memref_squeeze %dma_start3A_655 : memref<1x128x64xf32, #tpu.memory_space<vmem>> -> memref<128x64xf32, #tpu.memory_space<vmem>>
      %dma_start3A_657 = tpu.memref_slice %arg6[%add3A_590, %mul3A_36] : memref<409600x128xf32, #tpu.memory_space<hbm>> -> memref<128x64xf32, #tpu.memory_space<hbm>>
      %dma_start3A_658 = tpu.memref_slice %arg6[%add3A_590, %mul3A_36] : memref<409600x128xf32, #tpu.memory_space<hbm>> -> memref<128x64xf32, #tpu.memory_space<hbm>>
      %dma_start3A_659 = arith.constant 0 : i32
      %dma_start3A_660 = arith.constant 0 : i32
      %dma_start3A_661 = tpu.memref_slice %arg9[%dma_start3A_652, %dma_start3A_659, %dma_start3A_660] : memref<8x128x64xf32, #tpu.memory_space<vmem>> -> memref<1x128x64xf32, #tpu.memory_space<vmem>>
      %dma_start3A_662 = tpu.memref_squeeze %dma_start3A_661 : memref<1x128x64xf32, #tpu.memory_space<vmem>> -> memref<128x64xf32, #tpu.memory_space<vmem>>
      tpu.enqueue_dma source(%dma_start3A_662 : memref<128x64xf32, #tpu.memory_space<vmem>>) target(%dma_start3A_658 : memref<128x64xf32, #tpu.memory_space<hbm>>) target_semaphore(%arg12 : memref<!tpu.dma_semaphore, #tpu.memory_space<semaphore_mem>>)
      %dma_start3A_663 = arith.constant 4 : i32
      %dma_start3A_664 = arith.constant 0 : i32
      %dma_start3A_665 = arith.constant 0 : i32
      %dma_start3A_666 = tpu.memref_slice %arg9[%dma_start3A_663, %dma_start3A_664, %dma_start3A_665] : memref<8x128x64xf32, #tpu.memory_space<vmem>> -> memref<1x128x64xf32, #tpu.memory_space<vmem>>
      %dma_start3A_667 = tpu.memref_squeeze %dma_start3A_666 : memref<1x128x64xf32, #tpu.memory_space<vmem>> -> memref<128x64xf32, #tpu.memory_space<vmem>>
      %dma_start3A_668 = tpu.memref_slice %arg6[%add3A_597, %mul3A_36] : memref<409600x128xf32, #tpu.memory_space<hbm>> -> memref<128x64xf32, #tpu.memory_space<hbm>>
      %dma_start3A_669 = tpu.memref_slice %arg6[%add3A_597, %mul3A_36] : memref<409600x128xf32, #tpu.memory_space<hbm>> -> memref<128x64xf32, #tpu.memory_space<hbm>>
      %dma_start3A_670 = arith.constant 0 : i32
      %dma_start3A_671 = arith.constant 0 : i32
      %dma_start3A_672 = tpu.memref_slice %arg9[%dma_start3A_663, %dma_start3A_670, %dma_start3A_671] : memref<8x128x64xf32, #tpu.memory_space<vmem>> -> memref<1x128x64xf32, #tpu.memory_space<vmem>>
      %dma_start3A_673 = tpu.memref_squeeze %dma_start3A_672 : memref<1x128x64xf32, #tpu.memory_space<vmem>> -> memref<128x64xf32, #tpu.memory_space<vmem>>
      tpu.enqueue_dma source(%dma_start3A_673 : memref<128x64xf32, #tpu.memory_space<vmem>>) target(%dma_start3A_669 : memref<128x64xf32, #tpu.memory_space<hbm>>) target_semaphore(%arg12 : memref<!tpu.dma_semaphore, #tpu.memory_space<semaphore_mem>>)
      %dma_start3A_674 = arith.constant 5 : i32
      %dma_start3A_675 = arith.constant 0 : i32
      %dma_start3A_676 = arith.constant 0 : i32
      %dma_start3A_677 = tpu.memref_slice %arg9[%dma_start3A_674, %dma_start3A_675, %dma_start3A_676] : memref<8x128x64xf32, #tpu.memory_space<vmem>> -> memref<1x128x64xf32, #tpu.memory_space<vmem>>
      %dma_start3A_678 = tpu.memref_squeeze %dma_start3A_677 : memref<1x128x64xf32, #tpu.memory_space<vmem>> -> memref<128x64xf32, #tpu.memory_space<vmem>>
      %dma_start3A_679 = tpu.memref_slice %arg6[%add3A_604, %mul3A_36] : memref<409600x128xf32, #tpu.memory_space<hbm>> -> memref<128x64xf32, #tpu.memory_space<hbm>>
      %dma_start3A_680 = tpu.memref_slice %arg6[%add3A_604, %mul3A_36] : memref<409600x128xf32, #tpu.memory_space<hbm>> -> memref<128x64xf32, #tpu.memory_space<hbm>>
      %dma_start3A_681 = arith.constant 0 : i32
      %dma_start3A_682 = arith.constant 0 : i32
      %dma_start3A_683 = tpu.memref_slice %arg9[%dma_start3A_674, %dma_start3A_681, %dma_start3A_682] : memref<8x128x64xf32, #tpu.memory_space<vmem>> -> memref<1x128x64xf32, #tpu.memory_space<vmem>>
      %dma_start3A_684 = tpu.memref_squeeze %dma_start3A_683 : memref<1x128x64xf32, #tpu.memory_space<vmem>> -> memref<128x64xf32, #tpu.memory_space<vmem>>
      tpu.enqueue_dma source(%dma_start3A_684 : memref<128x64xf32, #tpu.memory_space<vmem>>) target(%dma_start3A_680 : memref<128x64xf32, #tpu.memory_space<hbm>>) target_semaphore(%arg12 : memref<!tpu.dma_semaphore, #tpu.memory_space<semaphore_mem>>)
      %dma_start3A_685 = arith.constant 6 : i32
      %dma_start3A_686 = arith.constant 0 : i32
      %dma_start3A_687 = arith.constant 0 : i32
      %dma_start3A_688 = tpu.memref_slice %arg9[%dma_start3A_685, %dma_start3A_686, %dma_start3A_687] : memref<8x128x64xf32, #tpu.memory_space<vmem>> -> memref<1x128x64xf32, #tpu.memory_space<vmem>>
      %dma_start3A_689 = tpu.memref_squeeze %dma_start3A_688 : memref<1x128x64xf32, #tpu.memory_space<vmem>> -> memref<128x64xf32, #tpu.memory_space<vmem>>
      %dma_start3A_690 = tpu.memref_slice %arg6[%add3A_611, %mul3A_36] : memref<409600x128xf32, #tpu.memory_space<hbm>> -> memref<128x64xf32, #tpu.memory_space<hbm>>
      %dma_start3A_691 = tpu.memref_slice %arg6[%add3A_611, %mul3A_36] : memref<409600x128xf32, #tpu.memory_space<hbm>> -> memref<128x64xf32, #tpu.memory_space<hbm>>
      %dma_start3A_692 = arith.constant 0 : i32
      %dma_start3A_693 = arith.constant 0 : i32
      %dma_start3A_694 = tpu.memref_slice %arg9[%dma_start3A_685, %dma_start3A_692, %dma_start3A_693] : memref<8x128x64xf32, #tpu.memory_space<vmem>> -> memref<1x128x64xf32, #tpu.memory_space<vmem>>
      %dma_start3A_695 = tpu.memref_squeeze %dma_start3A_694 : memref<1x128x64xf32, #tpu.memory_space<vmem>> -> memref<128x64xf32, #tpu.memory_space<vmem>>
      tpu.enqueue_dma source(%dma_start3A_695 : memref<128x64xf32, #tpu.memory_space<vmem>>) target(%dma_start3A_691 : memref<128x64xf32, #tpu.memory_space<hbm>>) target_semaphore(%arg12 : memref<!tpu.dma_semaphore, #tpu.memory_space<semaphore_mem>>)
      %dma_start3A_696 = arith.constant 7 : i32
      %dma_start3A_697 = arith.constant 0 : i32
      %dma_start3A_698 = arith.constant 0 : i32
      %dma_start3A_699 = tpu.memref_slice %arg9[%dma_start3A_696, %dma_start3A_697, %dma_start3A_698] : memref<8x128x64xf32, #tpu.memory_space<vmem>> -> memref<1x128x64xf32, #tpu.memory_space<vmem>>
      %dma_start3A_700 = tpu.memref_squeeze %dma_start3A_699 : memref<1x128x64xf32, #tpu.memory_space<vmem>> -> memref<128x64xf32, #tpu.memory_space<vmem>>
      %dma_start3A_701 = tpu.memref_slice %arg6[%add3A_618, %mul3A_36] : memref<409600x128xf32, #tpu.memory_space<hbm>> -> memref<128x64xf32, #tpu.memory_space<hbm>>
      %dma_start3A_702 = tpu.memref_slice %arg6[%add3A_618, %mul3A_36] : memref<409600x128xf32, #tpu.memory_space<hbm>> -> memref<128x64xf32, #tpu.memory_space<hbm>>
      %dma_start3A_703 = arith.constant 0 : i32
      %dma_start3A_704 = arith.constant 0 : i32
      %dma_start3A_705 = tpu.memref_slice %arg9[%dma_start3A_696, %dma_start3A_703, %dma_start3A_704] : memref<8x128x64xf32, #tpu.memory_space<vmem>> -> memref<1x128x64xf32, #tpu.memory_space<vmem>>
      %dma_start3A_706 = tpu.memref_squeeze %dma_start3A_705 : memref<1x128x64xf32, #tpu.memory_space<vmem>> -> memref<128x64xf32, #tpu.memory_space<vmem>>
      tpu.enqueue_dma source(%dma_start3A_706 : memref<128x64xf32, #tpu.memory_space<vmem>>) target(%dma_start3A_702 : memref<128x64xf32, #tpu.memory_space<hbm>>) target_semaphore(%arg12 : memref<!tpu.dma_semaphore, #tpu.memory_space<semaphore_mem>>)
    }
    %scan3A_41 = arith.constant 25 : i32
    %add3A_42 = arith.constant 24576 : i32
    %add3A_43 = arith.addi %mul3A_13, %add3A_42 : i32
    %add3A_44 = arith.constant 24704 : i32
    %add3A_45 = arith.addi %mul3A_13, %add3A_44 : i32
    %add3A_46 = arith.constant 24832 : i32
    %add3A_47 = arith.addi %mul3A_13, %add3A_46 : i32
    %add3A_48 = arith.constant 24960 : i32
    %add3A_49 = arith.addi %mul3A_13, %add3A_48 : i32
    %add3A_50 = arith.constant 25088 : i32
    %add3A_51 = arith.addi %mul3A_13, %add3A_50 : i32
    %add3A_52 = arith.constant 25216 : i32
    %add3A_53 = arith.addi %mul3A_13, %add3A_52 : i32
    %add3A_54 = arith.constant 25344 : i32
    %add3A_55 = arith.addi %mul3A_13, %add3A_54 : i32
    %add3A_56 = arith.constant 25472 : i32
    %add3A_57 = arith.addi %mul3A_13, %add3A_56 : i32
    %dma_wait3A = arith.constant 0 : i32
    %dma_wait3A_58 = arith.constant 0 : i32
    %dma_wait3A_59 = arith.constant 0 : i32
    %dma_wait3A_60 = tpu.memref_slice %arg9[%dma_wait3A, %dma_wait3A_58, %dma_wait3A_59] : memref<8x128x64xf32, #tpu.memory_space<vmem>> -> memref<1x128x64xf32, #tpu.memory_space<vmem>>
    %dma_wait3A_61 = tpu.memref_squeeze %dma_wait3A_60 : memref<1x128x64xf32, #tpu.memory_space<vmem>> -> memref<128x64xf32, #tpu.memory_space<vmem>>
    %dma_wait3A_62 = tpu.memref_slice %arg6[%add3A_43, %mul3A_36] : memref<409600x128xf32, #tpu.memory_space<hbm>> -> memref<128x64xf32, #tpu.memory_space<hbm>>
    %dma_wait3A_63 = tpu.memref_slice %arg6[%add3A_43, %mul3A_36] : memref<409600x128xf32, #tpu.memory_space<hbm>> -> memref<128x64xf32, #tpu.memory_space<hbm>>
    %dma_wait3A_64 = arith.constant 0 : i32
    %dma_wait3A_65 = arith.constant 0 : i32
    %dma_wait3A_66 = tpu.memref_slice %arg9[%dma_wait3A, %dma_wait3A_64, %dma_wait3A_65] : memref<8x128x64xf32, #tpu.memory_space<vmem>> -> memref<1x128x64xf32, #tpu.memory_space<vmem>>
    %dma_wait3A_67 = tpu.memref_squeeze %dma_wait3A_66 : memref<1x128x64xf32, #tpu.memory_space<vmem>> -> memref<128x64xf32, #tpu.memory_space<vmem>>
    tpu.wait_dma2 semaphore(%arg12 : memref<!tpu.dma_semaphore, #tpu.memory_space<semaphore_mem>>) src(%dma_wait3A_67 : memref<128x64xf32, #tpu.memory_space<vmem>>) dst(%dma_wait3A_63 : memref<128x64xf32, #tpu.memory_space<hbm>>)
    %dma_wait3A_68 = arith.constant 1 : i32
    %dma_wait3A_69 = arith.constant 0 : i32
    %dma_wait3A_70 = arith.constant 0 : i32
    %dma_wait3A_71 = tpu.memref_slice %arg9[%dma_wait3A_68, %dma_wait3A_69, %dma_wait3A_70] : memref<8x128x64xf32, #tpu.memory_space<vmem>> -> memref<1x128x64xf32, #tpu.memory_space<vmem>>
    %dma_wait3A_72 = tpu.memref_squeeze %dma_wait3A_71 : memref<1x128x64xf32, #tpu.memory_space<vmem>> -> memref<128x64xf32, #tpu.memory_space<vmem>>
    %dma_wait3A_73 = tpu.memref_slice %arg6[%add3A_45, %mul3A_36] : memref<409600x128xf32, #tpu.memory_space<hbm>> -> memref<128x64xf32, #tpu.memory_space<hbm>>
    %dma_wait3A_74 = tpu.memref_slice %arg6[%add3A_45, %mul3A_36] : memref<409600x128xf32, #tpu.memory_space<hbm>> -> memref<128x64xf32, #tpu.memory_space<hbm>>
    %dma_wait3A_75 = arith.constant 0 : i32
    %dma_wait3A_76 = arith.constant 0 : i32
    %dma_wait3A_77 = tpu.memref_slice %arg9[%dma_wait3A_68, %dma_wait3A_75, %dma_wait3A_76] : memref<8x128x64xf32, #tpu.memory_space<vmem>> -> memref<1x128x64xf32, #tpu.memory_space<vmem>>
    %dma_wait3A_78 = tpu.memref_squeeze %dma_wait3A_77 : memref<1x128x64xf32, #tpu.memory_space<vmem>> -> memref<128x64xf32, #tpu.memory_space<vmem>>
    tpu.wait_dma2 semaphore(%arg12 : memref<!tpu.dma_semaphore, #tpu.memory_space<semaphore_mem>>) src(%dma_wait3A_78 : memref<128x64xf32, #tpu.memory_space<vmem>>) dst(%dma_wait3A_74 : memref<128x64xf32, #tpu.memory_space<hbm>>)
    %dma_wait3A_79 = arith.constant 2 : i32
    %dma_wait3A_80 = arith.constant 0 : i32
    %dma_wait3A_81 = arith.constant 0 : i32
    %dma_wait3A_82 = tpu.memref_slice %arg9[%dma_wait3A_79, %dma_wait3A_80, %dma_wait3A_81] : memref<8x128x64xf32, #tpu.memory_space<vmem>> -> memref<1x128x64xf32, #tpu.memory_space<vmem>>
    %dma_wait3A_83 = tpu.memref_squeeze %dma_wait3A_82 : memref<1x128x64xf32, #tpu.memory_space<vmem>> -> memref<128x64xf32, #tpu.memory_space<vmem>>
    %dma_wait3A_84 = tpu.memref_slice %arg6[%add3A_47, %mul3A_36] : memref<409600x128xf32, #tpu.memory_space<hbm>> -> memref<128x64xf32, #tpu.memory_space<hbm>>
    %dma_wait3A_85 = tpu.memref_slice %arg6[%add3A_47, %mul3A_36] : memref<409600x128xf32, #tpu.memory_space<hbm>> -> memref<128x64xf32, #tpu.memory_space<hbm>>
    %dma_wait3A_86 = arith.constant 0 : i32
    %dma_wait3A_87 = arith.constant 0 : i32
    %dma_wait3A_88 = tpu.memref_slice %arg9[%dma_wait3A_79, %dma_wait3A_86, %dma_wait3A_87] : memref<8x128x64xf32, #tpu.memory_space<vmem>> -> memref<1x128x64xf32, #tpu.memory_space<vmem>>
    %dma_wait3A_89 = tpu.memref_squeeze %dma_wait3A_88 : memref<1x128x64xf32, #tpu.memory_space<vmem>> -> memref<128x64xf32, #tpu.memory_space<vmem>>
    tpu.wait_dma2 semaphore(%arg12 : memref<!tpu.dma_semaphore, #tpu.memory_space<semaphore_mem>>) src(%dma_wait3A_89 : memref<128x64xf32, #tpu.memory_space<vmem>>) dst(%dma_wait3A_85 : memref<128x64xf32, #tpu.memory_space<hbm>>)
    %dma_wait3A_90 = arith.constant 3 : i32
    %dma_wait3A_91 = arith.constant 0 : i32
    %dma_wait3A_92 = arith.constant 0 : i32
    %dma_wait3A_93 = tpu.memref_slice %arg9[%dma_wait3A_90, %dma_wait3A_91, %dma_wait3A_92] : memref<8x128x64xf32, #tpu.memory_space<vmem>> -> memref<1x128x64xf32, #tpu.memory_space<vmem>>
    %dma_wait3A_94 = tpu.memref_squeeze %dma_wait3A_93 : memref<1x128x64xf32, #tpu.memory_space<vmem>> -> memref<128x64xf32, #tpu.memory_space<vmem>>
    %dma_wait3A_95 = tpu.memref_slice %arg6[%add3A_49, %mul3A_36] : memref<409600x128xf32, #tpu.memory_space<hbm>> -> memref<128x64xf32, #tpu.memory_space<hbm>>
    %dma_wait3A_96 = tpu.memref_slice %arg6[%add3A_49, %mul3A_36] : memref<409600x128xf32, #tpu.memory_space<hbm>> -> memref<128x64xf32, #tpu.memory_space<hbm>>
    %dma_wait3A_97 = arith.constant 0 : i32
    %dma_wait3A_98 = arith.constant 0 : i32
    %dma_wait3A_99 = tpu.memref_slice %arg9[%dma_wait3A_90, %dma_wait3A_97, %dma_wait3A_98] : memref<8x128x64xf32, #tpu.memory_space<vmem>> -> memref<1x128x64xf32, #tpu.memory_space<vmem>>
    %dma_wait3A_100 = tpu.memref_squeeze %dma_wait3A_99 : memref<1x128x64xf32, #tpu.memory_space<vmem>> -> memref<128x64xf32, #tpu.memory_space<vmem>>
    tpu.wait_dma2 semaphore(%arg12 : memref<!tpu.dma_semaphore, #tpu.memory_space<semaphore_mem>>) src(%dma_wait3A_100 : memref<128x64xf32, #tpu.memory_space<vmem>>) dst(%dma_wait3A_96 : memref<128x64xf32, #tpu.memory_space<hbm>>)
    %dma_wait3A_101 = arith.constant 4 : i32
    %dma_wait3A_102 = arith.constant 0 : i32
    %dma_wait3A_103 = arith.constant 0 : i32
    %dma_wait3A_104 = tpu.memref_slice %arg9[%dma_wait3A_101, %dma_wait3A_102, %dma_wait3A_103] : memref<8x128x64xf32, #tpu.memory_space<vmem>> -> memref<1x128x64xf32, #tpu.memory_space<vmem>>
    %dma_wait3A_105 = tpu.memref_squeeze %dma_wait3A_104 : memref<1x128x64xf32, #tpu.memory_space<vmem>> -> memref<128x64xf32, #tpu.memory_space<vmem>>
    %dma_wait3A_106 = tpu.memref_slice %arg6[%add3A_51, %mul3A_36] : memref<409600x128xf32, #tpu.memory_space<hbm>> -> memref<128x64xf32, #tpu.memory_space<hbm>>
    %dma_wait3A_107 = tpu.memref_slice %arg6[%add3A_51, %mul3A_36] : memref<409600x128xf32, #tpu.memory_space<hbm>> -> memref<128x64xf32, #tpu.memory_space<hbm>>
    %dma_wait3A_108 = arith.constant 0 : i32
    %dma_wait3A_109 = arith.constant 0 : i32
    %dma_wait3A_110 = tpu.memref_slice %arg9[%dma_wait3A_101, %dma_wait3A_108, %dma_wait3A_109] : memref<8x128x64xf32, #tpu.memory_space<vmem>> -> memref<1x128x64xf32, #tpu.memory_space<vmem>>
    %dma_wait3A_111 = tpu.memref_squeeze %dma_wait3A_110 : memref<1x128x64xf32, #tpu.memory_space<vmem>> -> memref<128x64xf32, #tpu.memory_space<vmem>>
    tpu.wait_dma2 semaphore(%arg12 : memref<!tpu.dma_semaphore, #tpu.memory_space<semaphore_mem>>) src(%dma_wait3A_111 : memref<128x64xf32, #tpu.memory_space<vmem>>) dst(%dma_wait3A_107 : memref<128x64xf32, #tpu.memory_space<hbm>>)
    %dma_wait3A_112 = arith.constant 5 : i32
    %dma_wait3A_113 = arith.constant 0 : i32
    %dma_wait3A_114 = arith.constant 0 : i32
    %dma_wait3A_115 = tpu.memref_slice %arg9[%dma_wait3A_112, %dma_wait3A_113, %dma_wait3A_114] : memref<8x128x64xf32, #tpu.memory_space<vmem>> -> memref<1x128x64xf32, #tpu.memory_space<vmem>>
    %dma_wait3A_116 = tpu.memref_squeeze %dma_wait3A_115 : memref<1x128x64xf32, #tpu.memory_space<vmem>> -> memref<128x64xf32, #tpu.memory_space<vmem>>
    %dma_wait3A_117 = tpu.memref_slice %arg6[%add3A_53, %mul3A_36] : memref<409600x128xf32, #tpu.memory_space<hbm>> -> memref<128x64xf32, #tpu.memory_space<hbm>>
    %dma_wait3A_118 = tpu.memref_slice %arg6[%add3A_53, %mul3A_36] : memref<409600x128xf32, #tpu.memory_space<hbm>> -> memref<128x64xf32, #tpu.memory_space<hbm>>
    %dma_wait3A_119 = arith.constant 0 : i32
    %dma_wait3A_120 = arith.constant 0 : i32
    %dma_wait3A_121 = tpu.memref_slice %arg9[%dma_wait3A_112, %dma_wait3A_119, %dma_wait3A_120] : memref<8x128x64xf32, #tpu.memory_space<vmem>> -> memref<1x128x64xf32, #tpu.memory_space<vmem>>
    %dma_wait3A_122 = tpu.memref_squeeze %dma_wait3A_121 : memref<1x128x64xf32, #tpu.memory_space<vmem>> -> memref<128x64xf32, #tpu.memory_space<vmem>>
    tpu.wait_dma2 semaphore(%arg12 : memref<!tpu.dma_semaphore, #tpu.memory_space<semaphore_mem>>) src(%dma_wait3A_122 : memref<128x64xf32, #tpu.memory_space<vmem>>) dst(%dma_wait3A_118 : memref<128x64xf32, #tpu.memory_space<hbm>>)
    %dma_wait3A_123 = arith.constant 6 : i32
    %dma_wait3A_124 = arith.constant 0 : i32
    %dma_wait3A_125 = arith.constant 0 : i32
    %dma_wait3A_126 = tpu.memref_slice %arg9[%dma_wait3A_123, %dma_wait3A_124, %dma_wait3A_125] : memref<8x128x64xf32, #tpu.memory_space<vmem>> -> memref<1x128x64xf32, #tpu.memory_space<vmem>>
    %dma_wait3A_127 = tpu.memref_squeeze %dma_wait3A_126 : memref<1x128x64xf32, #tpu.memory_space<vmem>> -> memref<128x64xf32, #tpu.memory_space<vmem>>
    %dma_wait3A_128 = tpu.memref_slice %arg6[%add3A_55, %mul3A_36] : memref<409600x128xf32, #tpu.memory_space<hbm>> -> memref<128x64xf32, #tpu.memory_space<hbm>>
    %dma_wait3A_129 = tpu.memref_slice %arg6[%add3A_55, %mul3A_36] : memref<409600x128xf32, #tpu.memory_space<hbm>> -> memref<128x64xf32, #tpu.memory_space<hbm>>
    %dma_wait3A_130 = arith.constant 0 : i32
    %dma_wait3A_131 = arith.constant 0 : i32
    %dma_wait3A_132 = tpu.memref_slice %arg9[%dma_wait3A_123, %dma_wait3A_130, %dma_wait3A_131] : memref<8x128x64xf32, #tpu.memory_space<vmem>> -> memref<1x128x64xf32, #tpu.memory_space<vmem>>
    %dma_wait3A_133 = tpu.memref_squeeze %dma_wait3A_132 : memref<1x128x64xf32, #tpu.memory_space<vmem>> -> memref<128x64xf32, #tpu.memory_space<vmem>>
    tpu.wait_dma2 semaphore(%arg12 : memref<!tpu.dma_semaphore, #tpu.memory_space<semaphore_mem>>) src(%dma_wait3A_133 : memref<128x64xf32, #tpu.memory_space<vmem>>) dst(%dma_wait3A_129 : memref<128x64xf32, #tpu.memory_space<hbm>>)
    %dma_wait3A_134 = arith.constant 7 : i32
    %dma_wait3A_135 = arith.constant 0 : i32
    %dma_wait3A_136 = arith.constant 0 : i32
    %dma_wait3A_137 = tpu.memref_slice %arg9[%dma_wait3A_134, %dma_wait3A_135, %dma_wait3A_136] : memref<8x128x64xf32, #tpu.memory_space<vmem>> -> memref<1x128x64xf32, #tpu.memory_space<vmem>>
    %dma_wait3A_138 = tpu.memref_squeeze %dma_wait3A_137 : memref<1x128x64xf32, #tpu.memory_space<vmem>> -> memref<128x64xf32, #tpu.memory_space<vmem>>
    %dma_wait3A_139 = tpu.memref_slice %arg6[%add3A_57, %mul3A_36] : memref<409600x128xf32, #tpu.memory_space<hbm>> -> memref<128x64xf32, #tpu.memory_space<hbm>>
    %dma_wait3A_140 = tpu.memref_slice %arg6[%add3A_57, %mul3A_36] : memref<409600x128xf32, #tpu.memory_space<hbm>> -> memref<128x64xf32, #tpu.memory_space<hbm>>
    %dma_wait3A_141 = arith.constant 0 : i32
    %dma_wait3A_142 = arith.constant 0 : i32
    %dma_wait3A_143 = tpu.memref_slice %arg9[%dma_wait3A_134, %dma_wait3A_141, %dma_wait3A_142] : memref<8x128x64xf32, #tpu.memory_space<vmem>> -> memref<1x128x64xf32, #tpu.memory_space<vmem>>
    %dma_wait3A_144 = tpu.memref_squeeze %dma_wait3A_143 : memref<1x128x64xf32, #tpu.memory_space<vmem>> -> memref<128x64xf32, #tpu.memory_space<vmem>>
    tpu.wait_dma2 semaphore(%arg12 : memref<!tpu.dma_semaphore, #tpu.memory_space<semaphore_mem>>) src(%dma_wait3A_144 : memref<128x64xf32, #tpu.memory_space<vmem>>) dst(%dma_wait3A_140 : memref<128x64xf32, #tpu.memory_space<hbm>>)
    return
  }
}

module attributes {stable_mosaic.version = 14 : i64} {
  func.func @body(%arg0: i32, %arg1: memref<4096x128xf32, #tpu.memory_space<vmem>>, %arg2: memref<1x1x4096xi32, #tpu.memory_space<vmem>>, %arg3: memref<1x1x4096xi32, #tpu.memory_space<vmem>>, %arg4: memref<64x80xf32, #tpu.memory_space<vmem>>, %arg5: memref<32x16xf32, #tpu.memory_space<vmem>>, %arg6: memref<64xf32, #tpu.memory_space<vmem>>, %arg7: memref<2x1x64x4096xf32, #tpu.memory_space<vmem>>) attributes {dimension_semantics = [#tpu.dimension_semantics<arbitrary>], iteration_bounds = array<i64: 100>, scalar_prefetch = 0 : i64, scratch_operands = 0 : i64, tpu.core_type = #tpu.core_type<tc>, window_params = [{transform_indices = @transform_0, window_bounds = array<i64: 4096, 128>}, {transform_indices = @transform_1, window_bounds = array<i64: 1, 1, 4096>}, {transform_indices = @transform_2, window_bounds = array<i64: 1, 1, 4096>}, {pipeline_mode = #tpu.pipeline_mode<synchronous>, transform_indices = @transform_3, window_bounds = array<i64: 64, 80>}, {pipeline_mode = #tpu.pipeline_mode<synchronous>, transform_indices = @transform_4, window_bounds = array<i64: 32, 16>}, {pipeline_mode = #tpu.pipeline_mode<synchronous>, transform_indices = @transform_5, window_bounds = array<i64: 64>}, {transform_indices = @transform_6, window_bounds = array<i64: 2, 1, 64, 4096>}]} {
    %get3A = arith.constant 0 : index
    %get3A_0 = arith.constant 0 : index
    %get3A_1 = vector.load %arg1[%get3A, %get3A_0] : memref<4096x128xf32, #tpu.memory_space<vmem>>, vector<4096x128xf32>
    %get3A_2 = arith.constant 0 : index
    %get3A_3 = arith.constant 0 : index
    %get3A_4 = vector.load %arg4[%get3A_2, %get3A_3] : memref<64x80xf32, #tpu.memory_space<vmem>>, vector<64x80xf32>
    %get3A_5 = arith.constant 0 : index
    %get3A_6 = arith.constant 0 : index
    %get3A_7 = vector.load %arg5[%get3A_5, %get3A_6] : memref<32x16xf32, #tpu.memory_space<vmem>>, vector<32x16xf32>
    %slice3A = vector.extract_strided_slice %get3A_4 {offsets = [0, 64], sizes = [64, 16], strides = [1, 1]} : vector<64x80xf32> to vector<64x16xf32>
    %dot_general3A = arith.constant dense<0.000000e+00> : vector<32x64xf32>
    %dot_general3A_8 = tpu.matmul %get3A_7, %slice3A, %dot_general3A {dimension_numbers = #tpu.dot_dimension_numbers<[1], [1], [0], [0], [0, 0, 1, 0], [], []>, transpose_lhs_hint = false} : vector<32x16xf32>, vector<64x16xf32>, vector<32x64xf32> -> vector<32x64xf32>
    %get3A_9 = arith.constant 0 : index
    %get3A_10 = vector.load %arg6[%get3A_9] : memref<64xf32, #tpu.memory_space<vmem>>, vector<64xf32>
    %broadcast_in_dim3A = vector.shape_cast %get3A_10 : vector<64xf32> to vector<1x64xf32>
    %add3A = vector.broadcast %broadcast_in_dim3A : vector<1x64xf32> to vector<32x64xf32>
    %add3A_11 = arith.addf %dot_general3A_8, %add3A : vector<32x64xf32>
    %iota3A = tpu.iota {dimensions = array<i32: 1>} : vector<4096x32xi32>
    %get3A_12 = arith.constant 0 : index
    %get3A_13 = arith.constant 0 : index
    %get3A_14 = arith.constant 0 : index
    %get3A_15 = vector.load %arg2[%get3A_12, %get3A_13, %get3A_14] : memref<1x1x4096xi32, #tpu.memory_space<vmem>>, vector<1x1x4096xi32>
    %get3A_16 = vector.shape_cast %get3A_15 : vector<1x1x4096xi32> to vector<4096xi32>
    %broadcast_in_dim3A_17 = vector.shape_cast %get3A_16 : vector<4096xi32> to vector<4096x1xi32>
    %eq3A = vector.broadcast %broadcast_in_dim3A_17 : vector<4096x1xi32> to vector<4096x32xi32>
    %eq3A_18 = arith.cmpi eq, %eq3A, %iota3A : vector<4096x32xi32>
    %convert_element_type3A = arith.extui %eq3A_18 : vector<4096x32xi1> to vector<4096x32xi32>
    %convert_element_type3A_19 = arith.sitofp %convert_element_type3A : vector<4096x32xi32> to vector<4096x32xf32>
    %slice3A_20 = vector.extract_strided_slice %get3A_4 {offsets = [0, 0], sizes = [64, 64], strides = [1, 1]} : vector<64x80xf32> to vector<64x64xf32>
    %slice3A_21 = vector.extract_strided_slice %get3A_1 {offsets = [0, 0], sizes = [4096, 64], strides = [1, 1]} : vector<4096x128xf32> to vector<4096x64xf32>
    %dot_general3A_22 = arith.constant dense<0.000000e+00> : vector<64x4096xf32>
    %dot_general3A_23 = tpu.matmul %slice3A_20, %slice3A_21, %dot_general3A_22 {dimension_numbers = #tpu.dot_dimension_numbers<[1], [1], [0], [0], [0, 0, 1, 0], [], []>, transpose_lhs_hint = false} : vector<64x64xf32>, vector<4096x64xf32>, vector<64x4096xf32> -> vector<64x4096xf32>
    %dot_general3A_24 = arith.constant dense<0.000000e+00> : vector<64x4096xf32>
    %dot_general3A_25 = tpu.matmul %add3A_11, %convert_element_type3A_19, %dot_general3A_24 {dimension_numbers = #tpu.dot_dimension_numbers<[0], [1], [1], [0], [0, 1, 1, 0], [], []>, transpose_lhs_hint = false} : vector<32x64xf32>, vector<4096x32xf32>, vector<64x4096xf32> -> vector<64x4096xf32>
    %add3A_26 = arith.addf %dot_general3A_23, %dot_general3A_25 : vector<64x4096xf32>
    %tanh3A = math.tanh %add3A_26 : vector<64x4096xf32>
    %swap3A = arith.constant 0 : index
    %swap3A_27 = arith.constant 0 : index
    %swap3A_28 = arith.constant 0 : index
    %swap3A_29 = arith.constant 0 : index
    %swap3A_30 = vector.load %arg7[%swap3A, %swap3A_27, %swap3A_28, %swap3A_29] : memref<2x1x64x4096xf32, #tpu.memory_space<vmem>>, vector<1x1x64x4096xf32>
    %swap3A_31 = vector.shape_cast %swap3A_30 : vector<1x1x64x4096xf32> to vector<64x4096xf32>
    %swap3A_32 = vector.shape_cast %tanh3A : vector<64x4096xf32> to vector<1x1x64x4096xf32>
    tpu.vector_store %arg7[%swap3A, %swap3A_27, %swap3A_28, %swap3A_29], %swap3A_32 {strides = array<i32>} : memref<2x1x64x4096xf32, #tpu.memory_space<vmem>>, vector<1x1x64x4096xf32>,
    %get3A_33 = arith.constant 0 : index
    %get3A_34 = arith.constant 0 : index
    %get3A_35 = arith.constant 0 : index
    %get3A_36 = vector.load %arg3[%get3A_33, %get3A_34, %get3A_35] : memref<1x1x4096xi32, #tpu.memory_space<vmem>>, vector<1x1x4096xi32>
    %get3A_37 = vector.shape_cast %get3A_36 : vector<1x1x4096xi32> to vector<4096xi32>
    %broadcast_in_dim3A_38 = vector.shape_cast %get3A_37 : vector<4096xi32> to vector<4096x1xi32>
    %eq3A_39 = vector.broadcast %broadcast_in_dim3A_38 : vector<4096x1xi32> to vector<4096x32xi32>
    %eq3A_40 = arith.cmpi eq, %eq3A_39, %iota3A : vector<4096x32xi32>
    %convert_element_type3A_41 = arith.extui %eq3A_40 : vector<4096x32xi1> to vector<4096x32xi32>
    %convert_element_type3A_42 = arith.sitofp %convert_element_type3A_41 : vector<4096x32xi32> to vector<4096x32xf32>
    %slice3A_43 = vector.extract_strided_slice %get3A_4 {offsets = [0, 0], sizes = [64, 64], strides = [1, 1]} : vector<64x80xf32> to vector<64x64xf32>
    %slice3A_44 = vector.extract_strided_slice %get3A_1 {offsets = [0, 64], sizes = [4096, 64], strides = [1, 1]} : vector<4096x128xf32> to vector<4096x64xf32>
    %dot_general3A_45 = arith.constant dense<0.000000e+00> : vector<64x4096xf32>
    %dot_general3A_46 = tpu.matmul %slice3A_43, %slice3A_44, %dot_general3A_45 {dimension_numbers = #tpu.dot_dimension_numbers<[1], [1], [0], [0], [0, 0, 1, 0], [], []>, transpose_lhs_hint = false} : vector<64x64xf32>, vector<4096x64xf32>, vector<64x4096xf32> -> vector<64x4096xf32>
    %dot_general3A_47 = arith.constant dense<0.000000e+00> : vector<64x4096xf32>
    %dot_general3A_48 = tpu.matmul %add3A_11, %convert_element_type3A_42, %dot_general3A_47 {dimension_numbers = #tpu.dot_dimension_numbers<[0], [1], [1], [0], [0, 1, 1, 0], [], []>, transpose_lhs_hint = false} : vector<32x64xf32>, vector<4096x32xf32>, vector<64x4096xf32> -> vector<64x4096xf32>
    %add3A_49 = arith.addf %dot_general3A_46, %dot_general3A_48 : vector<64x4096xf32>
    %tanh3A_50 = math.tanh %add3A_49 : vector<64x4096xf32>
    %swap3A_51 = arith.constant 1 : index
    %swap3A_52 = arith.constant 0 : index
    %swap3A_53 = arith.constant 0 : index
    %swap3A_54 = arith.constant 0 : index
    %swap3A_55 = vector.load %arg7[%swap3A_51, %swap3A_52, %swap3A_53, %swap3A_54] : memref<2x1x64x4096xf32, #tpu.memory_space<vmem>>, vector<1x1x64x4096xf32>
    %swap3A_56 = vector.shape_cast %swap3A_55 : vector<1x1x64x4096xf32> to vector<64x4096xf32>
    %swap3A_57 = vector.shape_cast %tanh3A_50 : vector<64x4096xf32> to vector<1x1x64x4096xf32>
    tpu.vector_store %arg7[%swap3A_51, %swap3A_52, %swap3A_53, %swap3A_54], %swap3A_57 {strides = array<i32>} : memref<2x1x64x4096xf32, #tpu.memory_space<vmem>>, vector<1x1x64x4096xf32>,
    return
  }
  func.func @transform_0(%arg0: i32) -> (i32, i32) {
    %c0_i32 = arith.constant 0 : i32
    %c0_i32_0 = arith.constant 0 : i32
    return %arg0, %c0_i32 : i32, i32
  }
  func.func @transform_1(%arg0: i32) -> (i32, i32, i32) {
    %c0_i32 = arith.constant 0 : i32
    %c0_i32_0 = arith.constant 0 : i32
    %c0_i32_1 = arith.constant 0 : i32
    return %arg0, %c0_i32, %c0_i32_0 : i32, i32, i32
  }
  func.func @transform_2(%arg0: i32) -> (i32, i32, i32) {
    %add3A = arith.constant 100 : i32
    %add3A_0 = arith.addi %arg0, %add3A : i32
    %c0_i32 = arith.constant 0 : i32
    %c0_i32_1 = arith.constant 0 : i32
    %c0_i32_2 = arith.constant 0 : i32
    return %add3A_0, %c0_i32, %c0_i32_1 : i32, i32, i32
  }
  func.func @transform_3(%arg0: i32) -> (i32, i32) {
    %c0_i32 = arith.constant 0 : i32
    %c0_i32_0 = arith.constant 0 : i32
    %c0_i32_1 = arith.constant 0 : i32
    return %c0_i32, %c0_i32_0 : i32, i32
  }
  func.func @transform_4(%arg0: i32) -> (i32, i32) {
    %c0_i32 = arith.constant 0 : i32
    %c0_i32_0 = arith.constant 0 : i32
    %c0_i32_1 = arith.constant 0 : i32
    return %c0_i32, %c0_i32_0 : i32, i32
  }
  func.func @transform_5(%arg0: i32) -> i32 {
    %c0_i32 = arith.constant 0 : i32
    %c0_i32_0 = arith.constant 0 : i32
    return %c0_i32 : i32
  }
  func.func @transform_6(%arg0: i32) -> (i32, i32, i32, i32) {
    %c0_i32 = arith.constant 0 : i32
    %c0_i32_0 = arith.constant 0 : i32
    %c0_i32_1 = arith.constant 0 : i32
    %c0_i32_2 = arith.constant 0 : i32
    return %c0_i32, %arg0, %c0_i32_0, %c0_i32_1 : i32, i32, i32, i32
  }
}

</mosaic_0001>

<sc_bundles>
// kernel: kernel.4.cloned.1.call-start
scs
__scs_entry_jumppad:
0x0: {  	(pc) =	sbr.rel $0x88, $3  }
0x1: {  	(tag) =	ssettag $0x0;
	lr =	simm.s32 $0x1  }
0x2: {  	[smem:$0x3F99] =	sst lr;
	_ =	strace $0xD0000000  }
0x3: {  	_ = 	snop  }
0x4: {  	_ = 	snop  }
0x5: {  	_ = 	snop  }
0x6: {  	_ = 	snop  }
0x7: {  	_ = 	snop  }
__scs_overlays_trampoline_lowered:
0x8: {  	[smem:$0x3FA8] =	sst s0  }
0x9: {  	[smem:$0x3FA9] =	sst s1  }
0xa: {  	[smem:$0x3FAA] =	sst s2  }
0xb: {  	[smem:$0x3FAB] =	sst s3  }
0xc: {  	[smem:$0x3FAC] =	sst s4  }
0xd: {  	[smem:$0x3FAD] =	sst s5  }
0xe: {  	[smem:$0x3FAE] =	sst s6  }
0xf: {  	[smem:$0x3FAF] =	sst s7  }
0x10: {  	[smem:$0x3FB0] =	sst s8  }
0x11: {  	[smem:$0x3FB1] =	sst s9;
	s0 =	simm.s32 @!p0 $0x0  }
0x12: {  	s1 =	sld [smem:$0x3F97];
	s0 =	simm.s32 @p0 $0x1  }
0x13: {  	[smem:$0x3FB2] =	sst s0;
	s0 =	simm.s32 @!p1 $0x0  }
0x14: {  	s2 =	sld [smem:$0x3F96];
	s0 =	simm.s32 @p1 $0x1  }
0x15: {  	[smem:$0x3FB3] =	sst s0;
	s0 =	simm.s32 @!p2 $0x0  }
0x16: {  	s3 =	sld [smem:$0x3FDB];
	s0 =	simm.s32 @p2 $0x1  }
0x17: {  	s4 =	simm.s32 $0x1BF5;
	[smem:$0x3FB5] =	sst s0  }
0x18: {  	s0 =	sld [smem:$0x3F98];
	_ =	swait.ge [sflag:s4], $0x0  }
0x19: {  	s7 =	sld [smem:$0x3F99]  }
0x1a: {  	s8 =	sadd.s32 $0xFFFFE003, lr  }
0x1b: {  	s9 =	sadd.s32 $0xFFFFFEF7, lr;
	s5 =	simm.s32 $0xFFFFFFFF;
	p2 =	slt.u32 s8, $0xFFFFF086  }
0x1c: {  	p1 =	slt.u32 s9, $0xF7A;
	s5 =	simm.s32 @!p2 $0x0  }
0x1d: {  	s5 =	simm.s32 @p1 $0x1;
	p0 =	seq.s32 s7, s2  }
0x1e: {  	s7 =	smul.u32 @!p0 $0xF7A, s2;
	p2 =	seq.s32 @!p0 s5, $0x0  }
0x1f: {  	s9 =	smul.u32 $0xF7A, s1;
	s8 =	simm.s32 @!p0 $0x1BF5;
	p2 =	por !p2, p0  }
0x20: {  	[sflag:s8] =	ssyncset.s32 @!p0 $0xFFFFF086;
	s6 =	sadd.s32 @!p0 s3, s7;
	s7 =	simm.s32 @!p0 $0x108  }
0x21: {  	s3 =	sadd.s32 s3, s9;
	s6 =	sadd.s32 @!p0 $0x88, s6;
	s7 =	simm.s32 @p2 $0x1082  }
0x22: {  	[simem:s7], [sflag:s8] =	dma.local @!p0 [hbm:s6], $0xF7A  }
0x23: {  	s9 =	sor.u32 $0xD0000000, s2;
	s6 =	simm.s32 $0x108;
	_ =	swait.ge @!p0 [sflag:s8], $0x0  }
0x24: {  	s3 =	sadd.s32 $0x88, s3;
	s6 =	simm.s32 @!p1 $0x1082;
	[sflag:s4] =	ssyncset.s32 $0xFFFFF086  }
0x25: {  	[simem:s6], [sflag:s4] =	dma.local [hbm:s3], $0xF7A  }
0x26: {  	[smem:$0x3F99] =	sst s1;
	(tag) =	ssettag s2;
	_ =	strace s9  }
0x27: {  	s1 =	sld [smem:$0x3FA9]  }
0x28: {  	s2 =	sld [smem:$0x3FAA]  }
0x29: {  	s4 =	sld [smem:$0x3FAC]  }
0x2a: {  	p0 =	seq.s32 s5, $0x0;
	s5 =	sld [smem:$0x3FAD]  }
0x2b: {  	s6 =	sld [smem:$0x3FAE]  }
0x2c: {  	s7 =	sld [smem:$0x3FAF]  }
0x2d: {  	s3 =	simm.s32 $0x108;
	s8 =	sld [smem:$0x3FB0]  }
0x2e: {  	s3 =	simm.s32 @!p0 $0x1082;
	s9 =	sld [smem:$0x3FB1]  }
0x2f: {  	lr =	sadd.s32 s0, s3;
	s0 =	sld [smem:$0x3FA8]  }
0x30: {  	s3 =	sld [smem:$0x3FAB]  }
0x31: {  	[smem:$0x3FB4] =	sst s10  }
0x32: {  	s10 =	sld [smem:$0x3FB2];
	_ =	sdelay $0x3  }
0x33: {  	p0 =	seq.s32 s10, $0x1;
	s10 =	sld [smem:$0x3FB4];
	_ =	sdelay $0x3  }
0x34: {  	[smem:$0x3FB4] =	sst s10  }
0x35: {  	s10 =	sld [smem:$0x3FB3];
	_ =	sdelay $0x3  }
0x36: {  	p1 =	seq.s32 s10, $0x1;
	s10 =	sld [smem:$0x3FB4];
	_ =	sdelay $0x3  }
0x37: {  	[smem:$0x3FB4] =	sst s10  }
0x38: {  	s10 =	sld [smem:$0x3FB5]  }
0x39: {  	_ = 	snop;
	(pc) =	sbr.ind lr, $3  }
0x3a: {  	_ = 	snop  }
0x3b: {  	_ = 	snop  }
0x3c: {  	p2 =	seq.s32 s10, $0x1;
	s10 =	sld [smem:$0x3FB4]  }
0x3d: {  	_ =	shalt  }
0x3e: {  	_ =	shalt  }
0x3f: {  	_ =	shalt  }
0x40: {  	_ =	shalt  }
0x41: {  	_ =	shalt  }
0x42: {  	_ =	shalt  }
0x43: {  	_ =	shalt  }
0x44: {  	_ =	shalt  }
0x45: {  	_ =	shalt  }
0x46: {  	_ =	shalt  }
0x47: {  	_ =	shalt  }
0x48: {  	_ =	shalt  }
0x49: {  	_ =	shalt  }
0x4a: {  	_ =	shalt  }
0x4b: {  	_ =	shalt  }
0x4c: {  	_ =	shalt  }
0x4d: {  	_ =	shalt  }
0x4e: {  	_ =	shalt  }
0x4f: {  	_ =	shalt  }
0x50: {  	_ =	shalt  }
0x51: {  	_ =	shalt  }
0x52: {  	_ =	shalt  }
0x53: {  	_ =	shalt  }
0x54: {  	_ =	shalt  }
0x55: {  	_ =	shalt  }
0x56: {  	_ =	shalt  }
0x57: {  	_ =	shalt  }
0x58: {  	_ =	shalt  }
0x59: {  	_ =	shalt  }
0x5a: {  	_ =	shalt  }
0x5b: {  	_ =	shalt  }
0x5c: {  	_ =	shalt  }
0x5d: {  	_ =	shalt  }
0x5e: {  	_ =	shalt  }
0x5f: {  	_ =	shalt  }
0x60: {  	_ =	shalt  }
0x61: {  	_ =	shalt  }
0x62: {  	_ =	shalt  }
0x63: {  	_ =	shalt  }
0x64: {  	_ =	shalt  }
0x65: {  	_ =	shalt  }
0x66: {  	_ =	shalt  }
0x67: {  	_ =	shalt  }
0x68: {  	_ =	shalt  }
0x69: {  	_ =	shalt  }
0x6a: {  	_ =	shalt  }
0x6b: {  	_ =	shalt  }
0x6c: {  	_ =	shalt  }
0x6d: {  	_ =	shalt  }
0x6e: {  	_ =	shalt  }
0x6f: {  	_ =	shalt  }
0x70: {  	_ =	shalt  }
0x71: {  	_ =	shalt  }
0x72: {  	_ =	shalt  }
0x73: {  	_ =	shalt  }
0x74: {  	_ =	shalt  }
0x75: {  	_ =	shalt  }
0x76: {  	_ =	shalt  }
0x77: {  	_ =	shalt  }
0x78: {  	_ =	shalt  }
0x79: {  	_ =	shalt  }
0x7a: {  	_ =	shalt  }
0x7b: {  	_ =	shalt  }
0x7c: {  	_ =	shalt  }
0x7d: {  	_ =	shalt  }
0x7e: {  	_ =	shalt  }
0x7f: {  	_ =	shalt  }
0x80: {  	_ =	shalt  }
0x81: {  	_ =	shalt  }
0x82: {  	_ =	shalt  }
0x83: {  	_ =	shalt  }
0x84: {  	_ =	shalt  }
0x85: {  	_ =	shalt  }
0x86: {  	_ =	shalt  }
0x87: {  	_ =	shalt  }
.Lfunc_end0:
.L_simem_size_0:
called_computation_lowered:
.L_overlay_start_0:
0x88: {  	s2 =	sld [smem:$0x3FD9]  }
0x89: {  	s3 =	sld [smem:$0x3FFE];
	_ =	sdelay $0x1  }
0x8a: {  	s1 =	srdreg.scid  }
0x8b: {  	s0 =	sand.u32 $0x1, s1  }
0x8c: {  	s17 =	sshll.u32 s0, $0xA;
	s2 =	sadd.s32 s3, s2  }
0x8d: {  	s2 =	sadd.s32 s2, s17  }
0x8e: {  	[smem:$0x3FC0] =	sst s2  }
0x8f: {  	_ = 	snop  }
0x90: {  	s2 =	sld [smem:$0x3FD0];
	(tm) =	ssettm $0x1  }
0x91: {  	s18 =	sld [smem:$0x3FFB];
	_ =	sdelay $0x3  }
0x92: {  	_ =	strace s18  }
0x93: {  	s3 =	sld [smem:$0x3FFC];
	_ =	sdelay $0x3  }
0x94: {  	_ =	strace s3  }
0x95: {  	s3 =	sld [smem:$0x3FFD];
	_ =	sdelay $0x3  }
0x96: {  	_ =	strace s3  }
0x97: {  	_ =	strace $0x8FFFFFFF  }
0x98: {  	s19 =	sld [smem:$0x3FDB];
	_ =	sdelay $0x1  }
0x99: {  	s4 =	simm.s32 $_scs_section_size  }
0x9a: {  	s5 =	simm.s32 $_size__tile_overlayer_lowered;
	s6 =	simm.s32 $_tile_overlayer_lowered  }
0x9b: {  	s22 =	simm.s32 $0x1BFF;
	s21 =	sshll.u32 s6, $0x1;
	s3 =	sadd.s32 s4, s19  }
0x9c: {  	s7 =	simm.s32 $0x0;
	s20 =	sshll.u32 s5, $0x1;
	s5 =	sadd.s32 s21, s3  }
0x9d: {  	[timem:s7], [sflag:s22] =	dma.local [hbm:s5], s20  }
0x9e: {  	_ =	swait.ge [sflag:s22], s20  }
0x9f: {  	s4 =	ssub.s32 $0x0, s20;
	[sflag:s22] =	ssyncset.done $0x0  }
0xa0: {  	[sflag:s22] =	ssyncadd.s32 s4;
	_ =	sdelay $0x1  }
0xa1: {  	s23 =	simm.s32 $0x1B8B  }
0xa2: {  	_ =	swait.ge [sflag:s23], $0x1  }
0xa3: {  	[sflag:s23] =	ssyncset.done $0x0  }
0xa4: {  	s25 =	simm.s32 $0x1B8E;
	s24 =	sld [smem:$0x3FFE];
	[sflag:s23] =	ssyncadd.s32 $0xFFFFFFFF  }
0xa5: {  	s26 =	simm.s32 $execute0_lowered;
	[smem:$0x3FD2] =	sst s25  }
0xa6: {  	s5 =	sshll.u32 s26, $0x1;
	_ =	strace $0x80000046;
	[dreg:$0x1] =	wrdreg $0xFFFFFFFF  }
0xa7: {  	s28 =	simm.s32 $_size_execute0_lowered;
	s3 =	sadd.s32 s3, s5;
	[dreg:$0x0] =	wrdreg $0x0  }
0xa8: {  	s5 =	sshll.u32 s28, $0x1;
	[dreg:$0x2] =	wrdreg s3  }
0xa9: {  	[dreg:$0x3] =	wrdreg s5  }
0xaa: {  	[dreg:$0x4] =	wrdreg $0xC0  }
0xab: {  	_ =	task [dreg:s7], $0x5FFFF  }
0xac: {  	[dreg:$0x1] =	wrdreg $0xFFFFFFFF  }
0xad: {  	[dreg:$0x0] =	wrdreg $0x60  }
0xae: {  	[dreg:$0x2] =	wrdreg s24  }
0xaf: {  	[dreg:$0x3] =	wrdreg s2  }
0xb0: {  	[dreg:$0x4] =	wrdreg $0x9  }
0xb1: {  	_ =	task.clear_ibuf [dreg:s7], $0x5FFFF;
	_ =	strace $0x90000046  }
0xb2: {  	s29 =	simm.s32 $0x9;
	_ =	strace $0x80000048  }
0xb3: {  	_ =	swait.ge [sflag:s29], $0x1  }
0xb4: {  	[sflag:s29] =	ssyncadd.s32 $0xFFFFFFFF  }
0xb5: {  	_ =	strace $0x90000048  }
0xb6: {  	_ =	sfence  }
0xb7: {  	s30 =	sld [smem:$0x0];
	_ =	sdelay $0x2  }
0xb8: {  	s31 =	sshll.u32 s1, $0xD;
	s1 =	sshrl.u32 s1, $0x2  }
0xb9: {  	s3 =	sand.u32 $0x4000, s31;
	s1 =	sadd.s32 s1, s30  }
0xba: {  	s0 =	sor.u32 s3, s0;
	s1 =	sshll.u32 s1, $0x11  }
0xbb: {  	s0 =	sor.u32 s1, s0  }
0xbc: {  	s0 =	sadd.s32 $0x8F2B, s0  }
0xbd: {  	[sflag:s0] =	ssyncadd.remote.s32 $0x1  }
0xbe: {  	_ =	sfence.sel $0xFFFF  }
0xbf: {  	[dreg:$0x0] =	wrdreg $0xFFFFFFFF;
	(pc) =	sbr.abs _section_cstart, $3  }
0xc0: {  	[dreg:$0x1] =	wrdreg $0xFFFFFFFF  }
0xc1: {  	_ =	task.clear_ibuf [dreg:s7], $0x2FFFF;
	_ =	strace $0x9FFFFFFF  }
0xc2: {  	(tm) =	ssettm $0x7FFFFFFF  }
0xc3: {  	_ =	shalt  }
tec
execute0_lowered:
.L_overlay_start_1:
0x0: {  	(tag) =	ssettag $0x1  }
0x1: {  	s5 =	rddreg [dreg:$0x0]  }
0x2: {  	s6 =	rddreg [dreg:$0x1]  }
0x3: {  	s2 =	simm.s32 $0x0;
	s3 =	srdreg.scid;
	s1 =	stileid.u32  }
0x4: {  	s13 =	simm.s32 $0xE800;
	s14 =	simm.s32 $0x10800;
	s15 =	simm.s32 $0x12800  }
0x5: {  	s16 =	simm.s32 $0x14800;
	[smem:$0x7FF] =	sst s2;
	s7 =	sand.u32 $0x1, s3  }
0x6: {  	s4 =	sshll.u32 s1, $0x1;
	s3 =	sadd.s32 $0xF43800, s5;
	s10 =	sshll.u32 s1, $0x3  }
0x7: {  	_ =	strace $0x80000047;
	s8 =	sor.u32 s7, s4;
	s4 =	sadd.s32 $0x1A200, s5  }
0x8: {  	s7 =	ssub.s32 $0x2, s7;
	s9 =	smul.u32 $0xC80, s8;
	s8 =	sand.u32 $0xF, s8  }
0x9: {  	s10 =	sand.u32 $0x40, s10;
	s12 =	sshrl.u32 s7, $0x1;
	s8 =	smul.u32 $0x320000, s8  }
0xa: {  	s12 =	ssub.s32 s7, s12;
	s11 =	sadd.s32 s9, s5;
	s5 =	sadd.s32 $0x1C200, s5  }
0xb: {  	s6 =	sadd.s32 s6, s9;
	s17 =	sor.u32 s10, s8;
	s7 =	sadd.s32 $0x1200, s11  }
0xc: {  	s10 =	simm.s32 $0x6400;
	s11 =	simm.s32 $0x80;
	s8 =	sshrl.u32 s17, $0x3  }
0xd: {  	s18 =	sor.u32 $0x18000, s17;
	s20 =	sor.u32 $0x14000, s17;
	s22 =	sor.u32 $0x10000, s17  }
0xe: {  	s24 =	sor.u32 $0xC000, s17;
	s26 =	sor.u32 $0x8000, s17;
	s29 =	sor.u32 $0x4000, s17  }
0xf: {  	s31 =	sor.u32 $0x1C000, s17;
	[dreg:$0x3] =	wrdreg s8;
	s19 =	sshrl.u32 s18, $0x3  }
0x10: {  	s17 =	simm.s32 $0x16800;
	s21 =	sshrl.u32 s20, $0x3;
	[dreg:$0x4] =	wrdreg s19  }
0x11: {  	s23 =	sshrl.u32 s22, $0x3;
	s25 =	sshrl.u32 s24, $0x3;
	[dreg:$0x5] =	wrdreg s21  }
0x12: {  	s28 =	sshrl.u32 s26, $0x3;
	s30 =	sshrl.u32 s29, $0x3;
	[dreg:$0x6] =	wrdreg s23  }
0x13: {  	s9 =	sshrl.u32 s31, $0x3;
	s8 =	smax.u32 s12, $0x1;
	[dreg:$0x7] =	wrdreg s25  }
0x14: {  	s12 =	simm.s32 $0xC800;
	s18 =	simm.s32 $0x18800;
	[dreg:$0x8] =	wrdreg s28  }
0x15: {  	s20 =	simm.s32 $0x1;
	s22 =	simm.s32 $0x40;
	[dreg:$0x9] =	wrdreg s30  }
0x16: {  	s24 =	simm.s32 $0x0;
	[dreg:$0xa] =	wrdreg s9;
	s9 =	simm.s32 $0x4  }
0x17: {  	s19 =	simm.s32 $0x1A800;
	s21 =	simm.s32 $0x2;
	s23 =	simm.s32 $0x3  }
.LBB2_1:
0x18: {  	[tilespmem:s2], [sflag:$0x4] =	stream.linear.gather [hbm4b:s6+s2], $0x6400, $0x38;
	[tilespmem:$0x1C800] =	vst v63  }
0x19: {  	_ =	swait.ge [sflag:s9], $0x6400  }
0x1a: {  	[sflag:s9] =	ssyncset.done $0x0  }
0x1b: {  	[sflag:s9] =	ssyncadd.s32 $0xFFFF9C00  }
0x1c: {  	[tilespmem:s10], [sflag:$0x4] =	stream.linear.gather [hbm4b:s7+s2], $0x6400, $0x38;
	[tilespmem:$0x1C800] =	vst v63  }
0x1d: {  	p0 =	por $0x1, $0x1;
	_ =	swait.ge [sflag:s9], $0x6400  }
0x1e: {  	p0 =	por p0, p0;
	[sflag:s9] =	ssyncset.done $0x0  }
0x1f: {  	s25 =	simm.s32 @!p0 $0x3;
	[sflag:s9] =	ssyncadd.s32 $0xFFFF9C00  }
0x20: {  	_ =	swait.ge @!p0 [sflag:s25], $0x2000  }
0x21: {  	[sflag:s25] =	ssyncset.done @!p0 $0x0  }
0x22: {  	[sflag:s25] =	ssyncadd.s32 @!p0 $0xFFFFE000  }
0x23: {  	_ =	swait.ge @!p0 [sflag:s25], $0x2000  }
0x24: {  	[sflag:s25] =	ssyncset.done @!p0 $0x0  }
0x25: {  	[sflag:s25] =	ssyncadd.s32 @!p0 $0xFFFFE000  }
0x26: {  	_ =	swait.ge @!p0 [sflag:s25], $0x2000  }
0x27: {  	[sflag:s25] =	ssyncset.done @!p0 $0x0  }
0x28: {  	[sflag:s25] =	ssyncadd.s32 @!p0 $0xFFFFE000  }
0x29: {  	_ =	swait.ge @!p0 [sflag:s25], $0x2000  }
0x2a: {  	[sflag:s25] =	ssyncset.done @!p0 $0x0  }
0x2b: {  	[sflag:s25] =	ssyncadd.s32 @!p0 $0xFFFFE000  }
0x2c: {  	_ =	swait.ge @!p0 [sflag:s25], $0x2000  }
0x2d: {  	[sflag:s25] =	ssyncset.done @!p0 $0x0  }
0x2e: {  	[sflag:s25] =	ssyncadd.s32 @!p0 $0xFFFFE000  }
0x2f: {  	_ =	swait.ge @!p0 [sflag:s25], $0x2000  }
0x30: {  	[sflag:s25] =	ssyncset.done @!p0 $0x0  }
0x31: {  	[sflag:s25] =	ssyncadd.s32 @!p0 $0xFFFFE000  }
0x32: {  	_ =	swait.ge @!p0 [sflag:s25], $0x2000  }
0x33: {  	[sflag:s25] =	ssyncset.done @!p0 $0x0  }
0x34: {  	[sflag:s25] =	ssyncadd.s32 @!p0 $0xFFFFE000  }
0x35: {  	_ =	swait.ge @!p0 [sflag:s25], $0x2000  }
0x36: {  	[sflag:s25] =	ssyncset.done @!p0 $0x0  }
0x37: {  	s30 =	simm.s32 $0x6400;
	[sflag:s25] =	ssyncadd.s32 @!p0 $0xFFFFE000  }
0x38: {  	[tilespmem:s12], [sflag:$0x1] =	stream.indirect.gather [hbm4b:s4+s11], $0x40, s30, s11, $0xb8;
	[tilespmem:$0x1C800] =	vst v63  }
0x39: {  	s31 =	simm.s32 $0x6480  }
0x3a: {  	[tilespmem:s13], [sflag:$0x1] =	stream.indirect.gather [hbm4b:s4+s11], $0x40, s31, s11, $0xb8;
	[tilespmem:$0x1C800] =	vst v63  }
0x3b: {  	s0 =	simm.s32 $0x6500  }
0x3c: {  	[tilespmem:s14], [sflag:$0x1] =	stream.indirect.gather [hbm4b:s4+s11], $0x40, s0, s11, $0xb8;
	[tilespmem:$0x1C800] =	vst v63  }
0x3d: {  	s26 =	simm.s32 $0x6580  }
0x3e: {  	[tilespmem:s15], [sflag:$0x1] =	stream.indirect.gather [hbm4b:s4+s11], $0x40, s26, s11, $0xb8;
	[tilespmem:$0x1C800] =	vst v63  }
0x3f: {  	s30 =	simm.s32 $0x6600  }
0x40: {  	[tilespmem:s16], [sflag:$0x1] =	stream.indirect.gather [hbm4b:s4+s11], $0x40, s30, s11, $0xb8;
	[tilespmem:$0x1C800] =	vst v63  }
0x41: {  	s31 =	simm.s32 $0x6680  }
0x42: {  	[tilespmem:s17], [sflag:$0x1] =	stream.indirect.gather [hbm4b:s4+s11], $0x40, s31, s11, $0xb8;
	[tilespmem:$0x1C800] =	vst v63  }
0x43: {  	s0 =	simm.s32 $0x6700  }
0x44: {  	[tilespmem:s18], [sflag:$0x1] =	stream.indirect.gather [hbm4b:s4+s11], $0x40, s0, s11, $0xb8;
	[tilespmem:$0x1C800] =	vst v63  }
0x45: {  	s26 =	simm.s32 $0x6780  }
0x46: {  	[tilespmem:s19], [sflag:$0x1] =	stream.indirect.gather [hbm4b:s4+s11], $0x40, s26, s11, $0xb8;
	[tilespmem:$0x1C800] =	vst v63  }
0x47: {  	_ =	swait.ge [sflag:s20], $0x2000  }
0x48: {  	[sflag:s20] =	ssyncset.done $0x0  }
0x49: {  	[sflag:s20] =	ssyncadd.s32 $0xFFFFE000  }
0x4a: {  	_ =	swait.ge [sflag:s20], $0x2000  }
0x4b: {  	[sflag:s20] =	ssyncset.done $0x0  }
0x4c: {  	[sflag:s20] =	ssyncadd.s32 $0xFFFFE000  }
0x4d: {  	_ =	swait.ge [sflag:s20], $0x2000  }
0x4e: {  	[sflag:s20] =	ssyncset.done $0x0  }
0x4f: {  	[sflag:s20] =	ssyncadd.s32 $0xFFFFE000  }
0x50: {  	_ =	swait.ge [sflag:s20], $0x2000  }
0x51: {  	[sflag:s20] =	ssyncset.done $0x0  }
0x52: {  	[sflag:s20] =	ssyncadd.s32 $0xFFFFE000  }
0x53: {  	_ =	swait.ge [sflag:s20], $0x2000  }
0x54: {  	[sflag:s20] =	ssyncset.done $0x0  }
0x55: {  	[sflag:s20] =	ssyncadd.s32 $0xFFFFE000  }
0x56: {  	_ =	swait.ge [sflag:s20], $0x2000  }
0x57: {  	[sflag:s20] =	ssyncset.done $0x0  }
0x58: {  	[sflag:s20] =	ssyncadd.s32 $0xFFFFE000  }
0x59: {  	_ =	swait.ge [sflag:s20], $0x2000  }
0x5a: {  	[sflag:s20] =	ssyncset.done $0x0  }
0x5b: {  	[sflag:s20] =	ssyncadd.s32 $0xFFFFE000  }
0x5c: {  	_ =	swait.ge [sflag:s20], $0x2000  }
0x5d: {  	[sflag:s20] =	ssyncset.done $0x0  }
0x5e: {  	s30 =	simm.s32 $0x0;
	[sflag:s20] =	ssyncadd.s32 $0xFFFFE000  }
0x5f: {  	[tilespmem:s12], [sflag:$0x2] =	stream.indirect.gather.add.f32 [hbm:s3], $0x40, s30, s11, $0xb8;
	[tilespmem:$0x1C800] =	vst v63  }
0x60: {  	s31 =	simm.s32 $0x80  }
0x61: {  	[tilespmem:s13], [sflag:$0x2] =	stream.indirect.gather.add.f32 [hbm:s3], $0x40, s31, s11, $0xb8;
	[tilespmem:$0x1C800] =	vst v63  }
0x62: {  	s0 =	simm.s32 $0x100  }
0x63: {  	[tilespmem:s14], [sflag:$0x2] =	stream.indirect.gather.add.f32 [hbm:s3], $0x40, s0, s11, $0xb8;
	[tilespmem:$0x1C800] =	vst v63  }
0x64: {  	s26 =	simm.s32 $0x180  }
0x65: {  	[tilespmem:s15], [sflag:$0x2] =	stream.indirect.gather.add.f32 [hbm:s3], $0x40, s26, s11, $0xb8;
	[tilespmem:$0x1C800] =	vst v63  }
0x66: {  	s30 =	simm.s32 $0x200  }
0x67: {  	[tilespmem:s16], [sflag:$0x2] =	stream.indirect.gather.add.f32 [hbm:s3], $0x40, s30, s11, $0xb8;
	[tilespmem:$0x1C800] =	vst v63  }
0x68: {  	s31 =	simm.s32 $0x280  }
0x69: {  	[tilespmem:s17], [sflag:$0x2] =	stream.indirect.gather.add.f32 [hbm:s3], $0x40, s31, s11, $0xb8;
	[tilespmem:$0x1C800] =	vst v63  }
0x6a: {  	s0 =	simm.s32 $0x300  }
0x6b: {  	[tilespmem:s18], [sflag:$0x2] =	stream.indirect.gather.add.f32 [hbm:s3], $0x40, s0, s11, $0xb8;
	[tilespmem:$0x1C800] =	vst v63  }
0x6c: {  	s26 =	simm.s32 $0x380  }
0x6d: {  	[tilespmem:s19], [sflag:$0x2] =	stream.indirect.gather.add.f32 [hbm:s3], $0x40, s26, s11, $0xb8;
	[tilespmem:$0x1C800] =	vst v63  }
0x6e: {  	_ =	swait.ge [sflag:s21], $0x2000  }
0x6f: {  	[sflag:s21] =	ssyncset.done $0x0  }
0x70: {  	[sflag:s21] =	ssyncadd.s32 $0xFFFFE000  }
0x71: {  	_ =	swait.ge [sflag:s21], $0x2000  }
0x72: {  	[sflag:s21] =	ssyncset.done $0x0  }
0x73: {  	[sflag:s21] =	ssyncadd.s32 $0xFFFFE000  }
0x74: {  	_ =	swait.ge [sflag:s21], $0x2000  }
0x75: {  	[sflag:s21] =	ssyncset.done $0x0  }
0x76: {  	[sflag:s21] =	ssyncadd.s32 $0xFFFFE000  }
0x77: {  	_ =	swait.ge [sflag:s21], $0x2000  }
0x78: {  	[sflag:s21] =	ssyncset.done $0x0  }
0x79: {  	[sflag:s21] =	ssyncadd.s32 $0xFFFFE000  }
0x7a: {  	_ =	swait.ge [sflag:s21], $0x2000  }
0x7b: {  	[sflag:s21] =	ssyncset.done $0x0  }
0x7c: {  	[sflag:s21] =	ssyncadd.s32 $0xFFFFE000  }
0x7d: {  	_ =	swait.ge [sflag:s21], $0x2000  }
0x7e: {  	[sflag:s21] =	ssyncset.done $0x0  }
0x7f: {  	[sflag:s21] =	ssyncadd.s32 $0xFFFFE000  }
0x80: {  	_ =	swait.ge [sflag:s21], $0x2000  }
0x81: {  	[sflag:s21] =	ssyncset.done $0x0  }
0x82: {  	[sflag:s21] =	ssyncadd.s32 $0xFFFFE000  }
0x83: {  	_ =	swait.ge [sflag:s21], $0x2000  }
0x84: {  	s30 =	rddreg [dreg:$0x3]  }
0x85: {  	s26 =	rddreg [dreg:$0x9];
	[sflag:s21] =	ssyncset.done $0x0  }
0x86: {  	s28 =	rddreg [dreg:$0x8];
	[sflag:s21] =	ssyncadd.s32 $0xFFFFE000;
	s25 =	sadd.s32 s5, s30  }
0x87: {  	[hbm4b:s25+s22] =	stream.strided.scatter [tilespmem:s12], [sflag:$0x3], $0x2000, s11, s22, $0x38;
	[tilespmem:$0x1C800] =	vst v63  }
0x88: {  	s31 =	rddreg [dreg:$0x7];
	s26 =	sadd.s32 s5, s26  }
0x89: {  	[hbm4b:s26+s22] =	stream.strided.scatter [tilespmem:s13], [sflag:$0x3], $0x2000, s11, s22, $0x38;
	[tilespmem:$0x1C800] =	vst v63  }
0x8a: {  	s0 =	rddreg [dreg:$0x6];
	s28 =	sadd.s32 s5, s28  }
0x8b: {  	[hbm4b:s28+s22] =	stream.strided.scatter [tilespmem:s14], [sflag:$0x3], $0x2000, s11, s22, $0x38;
	[tilespmem:$0x1C800] =	vst v63  }
0x8c: {  	s29 =	rddreg [dreg:$0xa];
	s25 =	sadd.s32 s5, s31  }
0x8d: {  	[hbm4b:s25+s22] =	stream.strided.scatter [tilespmem:s15], [sflag:$0x3], $0x2000, s11, s22, $0x38;
	[tilespmem:$0x1C800] =	vst v63  }
0x8e: {  	s26 =	sadd.s32 s5, s0;
	s28 =	rddreg [dreg:$0x5]  }
0x8f: {  	[hbm4b:s26+s22] =	stream.strided.scatter [tilespmem:s16], [sflag:$0x3], $0x2000, s11, s22, $0x38;
	[tilespmem:$0x1C800] =	vst v63  }
0x90: {  	p6 =	por $0x0, $0x0;
	s30 =	rddreg [dreg:$0x4];
	s31 =	sadd.s32 s5, s28  }
0x91: {  	[hbm4b:s31+s22] =	stream.strided.scatter [tilespmem:s17], [sflag:$0x3], $0x2000, s11, s22, $0x38;
	[tilespmem:$0x1C800] =	vst v63  }
0x92: {  	p0 =	por p6, p6;
	s29 =	sadd.s32 s5, s29;
	s25 =	sadd.s32 s5, s30  }
0x93: {  	[hbm4b:s25+s22] =	stream.strided.scatter [tilespmem:s18], [sflag:$0x3], $0x2000, s11, s22, $0x38;
	[tilespmem:$0x1C800] =	vst v63  }
0x94: {  	s28 =	simm.s32 $0x2000;
	s26 =	simm.s32 $0x1000;
	s25 =	sadd.s32 $0x4000, s5  }
.LBB2_2:
0x95: {  	[hbm4b:s29+s22] =	stream.strided.scatter [tilespmem:s19], [sflag:$0x3], $0x2000, s11, s22, $0x38;
	[tilespmem:$0x1C800] =	vst v63  }
0x96: {  	s31 =	simm.s32 @!p0 $0x3  }
0x97: {  	_ =	swait.ge @!p0 [sflag:s31], $0x2000  }
0x98: {  	[sflag:s31] =	ssyncset.done @!p0 $0x0  }
0x99: {  	[sflag:s31] =	ssyncadd.s32 @!p0 $0xFFFFE000  }
0x9a: {  	_ =	swait.ge @!p0 [sflag:s31], $0x2000  }
0x9b: {  	[sflag:s31] =	ssyncset.done @!p0 $0x0  }
0x9c: {  	[sflag:s31] =	ssyncadd.s32 @!p0 $0xFFFFE000  }
0x9d: {  	_ =	swait.ge @!p0 [sflag:s31], $0x2000  }
0x9e: {  	[sflag:s31] =	ssyncset.done @!p0 $0x0  }
0x9f: {  	[sflag:s31] =	ssyncadd.s32 @!p0 $0xFFFFE000  }
0xa0: {  	_ =	swait.ge @!p0 [sflag:s31], $0x2000  }
0xa1: {  	[sflag:s31] =	ssyncset.done @!p0 $0x0  }
0xa2: {  	[sflag:s31] =	ssyncadd.s32 @!p0 $0xFFFFE000  }
0xa3: {  	_ =	swait.ge @!p0 [sflag:s31], $0x2000  }
0xa4: {  	[sflag:s31] =	ssyncset.done @!p0 $0x0  }
0xa5: {  	[sflag:s31] =	ssyncadd.s32 @!p0 $0xFFFFE000  }
0xa6: {  	_ =	swait.ge @!p0 [sflag:s31], $0x2000  }
0xa7: {  	[sflag:s31] =	ssyncset.done @!p0 $0x0  }
0xa8: {  	[sflag:s31] =	ssyncadd.s32 @!p0 $0xFFFFE000  }
0xa9: {  	_ =	swait.ge @!p0 [sflag:s31], $0x2000  }
0xaa: {  	[sflag:s31] =	ssyncset.done @!p0 $0x0  }
0xab: {  	[sflag:s31] =	ssyncadd.s32 @!p0 $0xFFFFE000  }
0xac: {  	_ =	swait.ge @!p0 [sflag:s31], $0x2000  }
0xad: {  	s29 =	sshra.s32 s26, $0x2;
	[sflag:s31] =	ssyncset.done @!p0 $0x0  }
0xae: {  	[sflag:s31] =	ssyncadd.s32 @!p0 $0xFFFFE000;
	s31 =	sadd.s32 $0x6400, s29  }
0xaf: {  	[tilespmem:s12], [sflag:$0x1] =	stream.indirect.gather [hbm4b:s4+s11], $0x40, s31, s11, $0xb8;
	[tilespmem:$0x1C800] =	vst v63  }
0xb0: {  	s0 =	sadd.s32 $0x6480, s29  }
0xb1: {  	[tilespmem:s13], [sflag:$0x1] =	stream.indirect.gather [hbm4b:s4+s11], $0x40, s0, s11, $0xb8;
	[tilespmem:$0x1C800] =	vst v63  }
0xb2: {  	s31 =	sadd.s32 $0x6500, s29  }
0xb3: {  	[tilespmem:s14], [sflag:$0x1] =	stream.indirect.gather [hbm4b:s4+s11], $0x40, s31, s11, $0xb8;
	[tilespmem:$0x1C800] =	vst v63  }
0xb4: {  	s0 =	sadd.s32 $0x6580, s29  }
0xb5: {  	[tilespmem:s15], [sflag:$0x1] =	stream.indirect.gather [hbm4b:s4+s11], $0x40, s0, s11, $0xb8;
	[tilespmem:$0x1C800] =	vst v63  }
0xb6: {  	s31 =	sadd.s32 $0x6600, s29  }
0xb7: {  	[tilespmem:s16], [sflag:$0x1] =	stream.indirect.gather [hbm4b:s4+s11], $0x40, s31, s11, $0xb8;
	[tilespmem:$0x1C800] =	vst v63  }
0xb8: {  	s0 =	sadd.s32 $0x6680, s29  }
0xb9: {  	[tilespmem:s17], [sflag:$0x1] =	stream.indirect.gather [hbm4b:s4+s11], $0x40, s0, s11, $0xb8;
	[tilespmem:$0x1C800] =	vst v63  }
0xba: {  	s31 =	sadd.s32 $0x6700, s29  }
0xbb: {  	[tilespmem:s18], [sflag:$0x1] =	stream.indirect.gather [hbm4b:s4+s11], $0x40, s31, s11, $0xb8;
	[tilespmem:$0x1C800] =	vst v63  }
0xbc: {  	s0 =	sadd.s32 $0x6780, s29  }
0xbd: {  	[tilespmem:s19], [sflag:$0x1] =	stream.indirect.gather [hbm4b:s4+s11], $0x40, s0, s11, $0xb8;
	[tilespmem:$0x1C800] =	vst v63  }
0xbe: {  	_ =	swait.ge [sflag:s20], $0x2000  }
0xbf: {  	[sflag:s20] =	ssyncset.done $0x0  }
0xc0: {  	[sflag:s20] =	ssyncadd.s32 $0xFFFFE000  }
0xc1: {  	_ =	swait.ge [sflag:s20], $0x2000  }
0xc2: {  	[sflag:s20] =	ssyncset.done $0x0  }
0xc3: {  	[sflag:s20] =	ssyncadd.s32 $0xFFFFE000  }
0xc4: {  	_ =	swait.ge [sflag:s20], $0x2000  }
0xc5: {  	[sflag:s20] =	ssyncset.done $0x0  }
0xc6: {  	[sflag:s20] =	ssyncadd.s32 $0xFFFFE000  }
0xc7: {  	_ =	swait.ge [sflag:s20], $0x2000  }
0xc8: {  	[sflag:s20] =	ssyncset.done $0x0  }
0xc9: {  	[sflag:s20] =	ssyncadd.s32 $0xFFFFE000  }
0xca: {  	_ =	swait.ge [sflag:s20], $0x2000  }
0xcb: {  	[sflag:s20] =	ssyncset.done $0x0  }
0xcc: {  	[sflag:s20] =	ssyncadd.s32 $0xFFFFE000  }
0xcd: {  	_ =	swait.ge [sflag:s20], $0x2000  }
0xce: {  	[sflag:s20] =	ssyncset.done $0x0  }
0xcf: {  	[sflag:s20] =	ssyncadd.s32 $0xFFFFE000  }
0xd0: {  	_ =	swait.ge [sflag:s20], $0x2000  }
0xd1: {  	[sflag:s20] =	ssyncset.done $0x0  }
0xd2: {  	[sflag:s20] =	ssyncadd.s32 $0xFFFFE000  }
0xd3: {  	_ =	swait.ge [sflag:s20], $0x2000  }
0xd4: {  	[sflag:s20] =	ssyncset.done $0x0  }
0xd5: {  	[sflag:s20] =	ssyncadd.s32 $0xFFFFE000  }
0xd6: {  	[tilespmem:s12], [sflag:$0x2] =	stream.indirect.gather.add.f32 [hbm:s3], $0x40, s29, s11, $0xb8;
	[tilespmem:$0x1C800] =	vst v63  }
0xd7: {  	s31 =	sadd.s32 $0x80, s29  }
0xd8: {  	[tilespmem:s13], [sflag:$0x2] =	stream.indirect.gather.add.f32 [hbm:s3], $0x40, s31, s11, $0xb8;
	[tilespmem:$0x1C800] =	vst v63  }
0xd9: {  	s0 =	sadd.s32 $0x100, s29  }
0xda: {  	[tilespmem:s14], [sflag:$0x2] =	stream.indirect.gather.add.f32 [hbm:s3], $0x40, s0, s11, $0xb8;
	[tilespmem:$0x1C800] =	vst v63  }
0xdb: {  	s31 =	sadd.s32 $0x180, s29  }
0xdc: {  	[tilespmem:s15], [sflag:$0x2] =	stream.indirect.gather.add.f32 [hbm:s3], $0x40, s31, s11, $0xb8;
	[tilespmem:$0x1C800] =	vst v63  }
0xdd: {  	s0 =	sadd.s32 $0x200, s29  }
0xde: {  	[tilespmem:s16], [sflag:$0x2] =	stream.indirect.gather.add.f32 [hbm:s3], $0x40, s0, s11, $0xb8;
	[tilespmem:$0x1C800] =	vst v63  }
0xdf: {  	s31 =	sadd.s32 $0x280, s29  }
0xe0: {  	[tilespmem:s17], [sflag:$0x2] =	stream.indirect.gather.add.f32 [hbm:s3], $0x40, s31, s11, $0xb8;
	[tilespmem:$0x1C800] =	vst v63  }
0xe1: {  	s0 =	sadd.s32 $0x300, s29  }
0xe2: {  	[tilespmem:s18], [sflag:$0x2] =	stream.indirect.gather.add.f32 [hbm:s3], $0x40, s0, s11, $0xb8;
	[tilespmem:$0x1C800] =	vst v63  }
0xe3: {  	s29 =	sadd.s32 $0x380, s29  }
0xe4: {  	[tilespmem:s19], [sflag:$0x2] =	stream.indirect.gather.add.f32 [hbm:s3], $0x40, s29, s11, $0xb8;
	[tilespmem:$0x1C800] =	vst v63  }
0xe5: {  	_ =	swait.ge [sflag:s21], $0x2000  }
0xe6: {  	[sflag:s21] =	ssyncset.done $0x0  }
0xe7: {  	[sflag:s21] =	ssyncadd.s32 $0xFFFFE000  }
0xe8: {  	_ =	swait.ge [sflag:s21], $0x2000  }
0xe9: {  	[sflag:s21] =	ssyncset.done $0x0  }
0xea: {  	[sflag:s21] =	ssyncadd.s32 $0xFFFFE000  }
0xeb: {  	_ =	swait.ge [sflag:s21], $0x2000  }
0xec: {  	[sflag:s21] =	ssyncset.done $0x0  }
0xed: {  	[sflag:s21] =	ssyncadd.s32 $0xFFFFE000  }
0xee: {  	_ =	swait.ge [sflag:s21], $0x2000  }
0xef: {  	[sflag:s21] =	ssyncset.done $0x0  }
0xf0: {  	[sflag:s21] =	ssyncadd.s32 $0xFFFFE000  }
0xf1: {  	_ =	swait.ge [sflag:s21], $0x2000  }
0xf2: {  	[sflag:s21] =	ssyncset.done $0x0  }
0xf3: {  	[sflag:s21] =	ssyncadd.s32 $0xFFFFE000  }
0xf4: {  	_ =	swait.ge [sflag:s21], $0x2000  }
0xf5: {  	[sflag:s21] =	ssyncset.done $0x0  }
0xf6: {  	[sflag:s21] =	ssyncadd.s32 $0xFFFFE000  }
0xf7: {  	_ =	swait.ge [sflag:s21], $0x2000  }
0xf8: {  	[sflag:s21] =	ssyncset.done $0x0  }
0xf9: {  	s30 =	smov.u32 s28;
	[sflag:s21] =	ssyncadd.s32 $0xFFFFE000  }
0xfa: {  	p2 =	seq.s32 s30, $0x0;
	_ =	swait.ge [sflag:s21], $0x2000  }
0xfb: {  	s26 =	smov.u32 s30;
	s29 =	rddreg [dreg:$0x3];
	[sflag:s21] =	ssyncset.done $0x0  }
0xfc: {  	s30 =	rddreg [dreg:$0x9];
	[sflag:s21] =	ssyncadd.s32 $0xFFFFE000;
	s29 =	sadd.s32 s25, s29  }
0xfd: {  	[hbm4b:s29+s22] =	stream.strided.scatter [tilespmem:s12], [sflag:$0x3], $0x2000, s11, s22, $0x38;
	[tilespmem:$0x1C800] =	vst v63  }
0xfe: {  	s31 =	rddreg [dreg:$0x8];
	s29 =	sadd.s32 s25, s30  }
0xff: {  	[hbm4b:s29+s22] =	stream.strided.scatter [tilespmem:s13], [sflag:$0x3], $0x2000, s11, s22, $0x38;
	[tilespmem:$0x1C800] =	vst v63  }
0x100: {  	s0 =	rddreg [dreg:$0x7];
	s29 =	sadd.s32 s25, s31  }
0x101: {  	[hbm4b:s29+s22] =	stream.strided.scatter [tilespmem:s14], [sflag:$0x3], $0x2000, s11, s22, $0x38;
	[tilespmem:$0x1C800] =	vst v63  }
0x102: {  	s28 =	sadd.s32 $0x1000, s28;
	s0 =	sadd.s32 s25, s0;
	s30 =	rddreg [dreg:$0x6]  }
0x103: {  	[hbm4b:s0+s22] =	stream.strided.scatter [tilespmem:s15], [sflag:$0x3], $0x2000, s11, s22, $0x38;
	[tilespmem:$0x1C800] =	vst v63  }
0x104: {  	p1 =	sne.s32 s28, $0x19000;
	s31 =	rddreg [dreg:$0x5];
	s0 =	sadd.s32 s25, s30  }
0x105: {  	[hbm4b:s0+s22] =	stream.strided.scatter [tilespmem:s16], [sflag:$0x3], $0x2000, s11, s22, $0x38;
	[tilespmem:$0x1C800] =	vst v63  }
.Ltmp0:
0x106: {  	s29 =	rddreg [dreg:$0x4];
	(pc) =	sbr.rel @p1 .LBB2_2-.Ltmp0, $4  }
0x107: {  	p0 =	por p2, p2;
	s31 =	sadd.s32 s25, s31;
	s30 =	rddreg [dreg:$0xa]  }
0x108: {  	[hbm4b:s31+s22] =	stream.strided.scatter [tilespmem:s17], [sflag:$0x3], $0x2000, s11, s22, $0x38;
	[tilespmem:$0x1C800] =	vst v63  }
0x109: {  	s31 =	sadd.s32 s25, s29;
	s29 =	sadd.s32 s25, s30;
	s25 =	sadd.s32 $0x4000, s25  }
0x10a: {  	[hbm4b:s31+s22] =	stream.strided.scatter [tilespmem:s18], [sflag:$0x3], $0x2000, s11, s22, $0x38;
	[tilespmem:$0x1C800] =	vst v63  }
0x10b: {  	[hbm4b:s29+s22] =	stream.strided.scatter [tilespmem:s19], [sflag:$0x3], $0x2000, s11, s22, $0x38;
	[tilespmem:$0x1C800] =	vst v63  }
0x10c: {  	s0 =	simm.s32 @!p0 $0x3  }
0x10d: {  	_ =	swait.ge @!p0 [sflag:s0], $0x2000  }
0x10e: {  	[sflag:s0] =	ssyncset.done @!p0 $0x0  }
0x10f: {  	[sflag:s0] =	ssyncadd.s32 @!p0 $0xFFFFE000  }
0x110: {  	_ =	swait.ge @!p0 [sflag:s0], $0x2000  }
0x111: {  	[sflag:s0] =	ssyncset.done @!p0 $0x0  }
0x112: {  	[sflag:s0] =	ssyncadd.s32 @!p0 $0xFFFFE000  }
0x113: {  	_ =	swait.ge @!p0 [sflag:s0], $0x2000  }
0x114: {  	[sflag:s0] =	ssyncset.done @!p0 $0x0  }
0x115: {  	[sflag:s0] =	ssyncadd.s32 @!p0 $0xFFFFE000  }
0x116: {  	_ =	swait.ge @!p0 [sflag:s0], $0x2000  }
0x117: {  	[sflag:s0] =	ssyncset.done @!p0 $0x0  }
0x118: {  	[sflag:s0] =	ssyncadd.s32 @!p0 $0xFFFFE000  }
0x119: {  	_ =	swait.ge @!p0 [sflag:s0], $0x2000  }
0x11a: {  	[sflag:s0] =	ssyncset.done @!p0 $0x0  }
0x11b: {  	[sflag:s0] =	ssyncadd.s32 @!p0 $0xFFFFE000  }
0x11c: {  	_ =	swait.ge @!p0 [sflag:s0], $0x2000  }
0x11d: {  	[sflag:s0] =	ssyncset.done @!p0 $0x0  }
0x11e: {  	[sflag:s0] =	ssyncadd.s32 @!p0 $0xFFFFE000  }
0x11f: {  	_ =	swait.ge @!p0 [sflag:s0], $0x2000  }
0x120: {  	[sflag:s0] =	ssyncset.done @!p0 $0x0  }
0x121: {  	[sflag:s0] =	ssyncadd.s32 @!p0 $0xFFFFE000  }
0x122: {  	_ =	swait.ge @!p0 [sflag:s0], $0x2000  }
0x123: {  	s26 =	sshra.s32 s26, $0x2;
	[sflag:s0] =	ssyncset.done @!p0 $0x0  }
0x124: {  	s31 =	sadd.s32 $0x6400, s26;
	[sflag:s0] =	ssyncadd.s32 @!p0 $0xFFFFE000  }
0x125: {  	[tilespmem:s12], [sflag:$0x1] =	stream.indirect.gather [hbm4b:s4+s11], $0x40, s31, s11, $0xb8;
	[tilespmem:$0x1C800] =	vst v63  }
0x126: {  	s28 =	sadd.s32 $0x6480, s26  }
0x127: {  	[tilespmem:s13], [sflag:$0x1] =	stream.indirect.gather [hbm4b:s4+s11], $0x40, s28, s11, $0xb8;
	[tilespmem:$0x1C800] =	vst v63  }
0x128: {  	s29 =	sadd.s32 $0x6500, s26  }
0x129: {  	[tilespmem:s14], [sflag:$0x1] =	stream.indirect.gather [hbm4b:s4+s11], $0x40, s29, s11, $0xb8;
	[tilespmem:$0x1C800] =	vst v63  }
0x12a: {  	s30 =	sadd.s32 $0x6580, s26  }
0x12b: {  	[tilespmem:s15], [sflag:$0x1] =	stream.indirect.gather [hbm4b:s4+s11], $0x40, s30, s11, $0xb8;
	[tilespmem:$0x1C800] =	vst v63  }
0x12c: {  	s31 =	sadd.s32 $0x6600, s26  }
0x12d: {  	[tilespmem:s16], [sflag:$0x1] =	stream.indirect.gather [hbm4b:s4+s11], $0x40, s31, s11, $0xb8;
	[tilespmem:$0x1C800] =	vst v63  }
0x12e: {  	s28 =	sadd.s32 $0x6680, s26  }
0x12f: {  	[tilespmem:s17], [sflag:$0x1] =	stream.indirect.gather [hbm4b:s4+s11], $0x40, s28, s11, $0xb8;
	[tilespmem:$0x1C800] =	vst v63  }
0x130: {  	s29 =	sadd.s32 $0x6700, s26  }
0x131: {  	[tilespmem:s18], [sflag:$0x1] =	stream.indirect.gather [hbm4b:s4+s11], $0x40, s29, s11, $0xb8;
	[tilespmem:$0x1C800] =	vst v63  }
0x132: {  	s30 =	sadd.s32 $0x6780, s26  }
0x133: {  	[tilespmem:s19], [sflag:$0x1] =	stream.indirect.gather [hbm4b:s4+s11], $0x40, s30, s11, $0xb8;
	[tilespmem:$0x1C800] =	vst v63  }
0x134: {  	_ =	swait.ge [sflag:s20], $0x2000  }
0x135: {  	[sflag:s20] =	ssyncset.done $0x0  }
0x136: {  	[sflag:s20] =	ssyncadd.s32 $0xFFFFE000  }
0x137: {  	_ =	swait.ge [sflag:s20], $0x2000  }
0x138: {  	[sflag:s20] =	ssyncset.done $0x0  }
0x139: {  	[sflag:s20] =	ssyncadd.s32 $0xFFFFE000  }
0x13a: {  	_ =	swait.ge [sflag:s20], $0x2000  }
0x13b: {  	[sflag:s20] =	ssyncset.done $0x0  }
0x13c: {  	[sflag:s20] =	ssyncadd.s32 $0xFFFFE000  }
0x13d: {  	_ =	swait.ge [sflag:s20], $0x2000  }
0x13e: {  	[sflag:s20] =	ssyncset.done $0x0  }
0x13f: {  	[sflag:s20] =	ssyncadd.s32 $0xFFFFE000  }
0x140: {  	_ =	swait.ge [sflag:s20], $0x2000  }
0x141: {  	[sflag:s20] =	ssyncset.done $0x0  }
0x142: {  	[sflag:s20] =	ssyncadd.s32 $0xFFFFE000  }
0x143: {  	_ =	swait.ge [sflag:s20], $0x2000  }
0x144: {  	[sflag:s20] =	ssyncset.done $0x0  }
0x145: {  	[sflag:s20] =	ssyncadd.s32 $0xFFFFE000  }
0x146: {  	_ =	swait.ge [sflag:s20], $0x2000  }
0x147: {  	[sflag:s20] =	ssyncset.done $0x0  }
0x148: {  	[sflag:s20] =	ssyncadd.s32 $0xFFFFE000  }
0x149: {  	_ =	swait.ge [sflag:s20], $0x2000  }
0x14a: {  	[sflag:s20] =	ssyncset.done $0x0  }
0x14b: {  	[sflag:s20] =	ssyncadd.s32 $0xFFFFE000  }
0x14c: {  	[tilespmem:s12], [sflag:$0x2] =	stream.indirect.gather.add.f32 [hbm:s3], $0x40, s26, s11, $0xb8;
	[tilespmem:$0x1C800] =	vst v63  }
0x14d: {  	s31 =	sadd.s32 $0x80, s26  }
0x14e: {  	[tilespmem:s13], [sflag:$0x2] =	stream.indirect.gather.add.f32 [hbm:s3], $0x40, s31, s11, $0xb8;
	[tilespmem:$0x1C800] =	vst v63  }
0x14f: {  	s28 =	sadd.s32 $0x100, s26  }
0x150: {  	[tilespmem:s14], [sflag:$0x2] =	stream.indirect.gather.add.f32 [hbm:s3], $0x40, s28, s11, $0xb8;
	[tilespmem:$0x1C800] =	vst v63  }
0x151: {  	s29 =	sadd.s32 $0x180, s26  }
0x152: {  	[tilespmem:s15], [sflag:$0x2] =	stream.indirect.gather.add.f32 [hbm:s3], $0x40, s29, s11, $0xb8;
	[tilespmem:$0x1C800] =	vst v63  }
0x153: {  	s30 =	sadd.s32 $0x200, s26  }
0x154: {  	[tilespmem:s16], [sflag:$0x2] =	stream.indirect.gather.add.f32 [hbm:s3], $0x40, s30, s11, $0xb8;
	[tilespmem:$0x1C800] =	vst v63  }
0x155: {  	s31 =	sadd.s32 $0x280, s26  }
0x156: {  	[tilespmem:s17], [sflag:$0x2] =	stream.indirect.gather.add.f32 [hbm:s3], $0x40, s31, s11, $0xb8;
	[tilespmem:$0x1C800] =	vst v63  }
0x157: {  	s28 =	sadd.s32 $0x300, s26  }
0x158: {  	[tilespmem:s18], [sflag:$0x2] =	stream.indirect.gather.add.f32 [hbm:s3], $0x40, s28, s11, $0xb8;
	[tilespmem:$0x1C800] =	vst v63  }
0x159: {  	s29 =	sadd.s32 $0x380, s26  }
0x15a: {  	[tilespmem:s19], [sflag:$0x2] =	stream.indirect.gather.add.f32 [hbm:s3], $0x40, s29, s11, $0xb8;
	[tilespmem:$0x1C800] =	vst v63  }
0x15b: {  	_ =	swait.ge [sflag:s21], $0x2000  }
0x15c: {  	[sflag:s21] =	ssyncset.done $0x0  }
0x15d: {  	[sflag:s21] =	ssyncadd.s32 $0xFFFFE000  }
0x15e: {  	_ =	swait.ge [sflag:s21], $0x2000  }
0x15f: {  	[sflag:s21] =	ssyncset.done $0x0  }
0x160: {  	[sflag:s21] =	ssyncadd.s32 $0xFFFFE000  }
0x161: {  	_ =	swait.ge [sflag:s21], $0x2000  }
0x162: {  	[sflag:s21] =	ssyncset.done $0x0  }
0x163: {  	[sflag:s21] =	ssyncadd.s32 $0xFFFFE000  }
0x164: {  	_ =	swait.ge [sflag:s21], $0x2000  }
0x165: {  	[sflag:s21] =	ssyncset.done $0x0  }
0x166: {  	[sflag:s21] =	ssyncadd.s32 $0xFFFFE000  }
0x167: {  	_ =	swait.ge [sflag:s21], $0x2000  }
0x168: {  	[sflag:s21] =	ssyncset.done $0x0  }
0x169: {  	[sflag:s21] =	ssyncadd.s32 $0xFFFFE000  }
0x16a: {  	_ =	swait.ge [sflag:s21], $0x2000  }
0x16b: {  	[sflag:s21] =	ssyncset.done $0x0  }
0x16c: {  	[sflag:s21] =	ssyncadd.s32 $0xFFFFE000  }
0x16d: {  	_ =	swait.ge [sflag:s21], $0x2000  }
0x16e: {  	[sflag:s21] =	ssyncset.done $0x0  }
0x16f: {  	[sflag:s21] =	ssyncadd.s32 $0xFFFFE000  }
0x170: {  	_ =	swait.ge [sflag:s21], $0x2000  }
0x171: {  	s30 =	rddreg [dreg:$0x3];
	[sflag:s21] =	ssyncset.done $0x0  }
0x172: {  	s31 =	rddreg [dreg:$0x9];
	[sflag:s21] =	ssyncadd.s32 $0xFFFFE000;
	s0 =	sadd.s32 s25, s30  }
0x173: {  	[hbm4b:s0+s22] =	stream.strided.scatter [tilespmem:s12], [sflag:$0x3], $0x2000, s11, s22, $0x38;
	[tilespmem:$0x1C800] =	vst v63  }
0x174: {  	s28 =	rddreg [dreg:$0x8];
	s26 =	sadd.s32 s25, s31  }
0x175: {  	[hbm4b:s26+s22] =	stream.strided.scatter [tilespmem:s13], [sflag:$0x3], $0x2000, s11, s22, $0x38;
	[tilespmem:$0x1C800] =	vst v63  }
0x176: {  	s29 =	rddreg [dreg:$0x7];
	s28 =	sadd.s32 s25, s28  }
0x177: {  	[hbm4b:s28+s22] =	stream.strided.scatter [tilespmem:s14], [sflag:$0x3], $0x2000, s11, s22, $0x38;
	[tilespmem:$0x1C800] =	vst v63  }
0x178: {  	s30 =	rddreg [dreg:$0x6];
	s0 =	sadd.s32 s25, s29  }
0x179: {  	[hbm4b:s0+s22] =	stream.strided.scatter [tilespmem:s15], [sflag:$0x3], $0x2000, s11, s22, $0x38;
	[tilespmem:$0x1C800] =	vst v63  }
0x17a: {  	s31 =	rddreg [dreg:$0x5];
	s26 =	sadd.s32 s25, s30  }
0x17b: {  	[hbm4b:s26+s22] =	stream.strided.scatter [tilespmem:s16], [sflag:$0x3], $0x2000, s11, s22, $0x38;
	[tilespmem:$0x1C800] =	vst v63  }
0x17c: {  	s29 =	rddreg [dreg:$0x4];
	s28 =	sadd.s32 s25, s31  }
0x17d: {  	[hbm4b:s28+s22] =	stream.strided.scatter [tilespmem:s17], [sflag:$0x3], $0x2000, s11, s22, $0x38;
	[tilespmem:$0x1C800] =	vst v63  }
0x17e: {  	s30 =	rddreg [dreg:$0xa];
	s0 =	sadd.s32 s25, s29  }
0x17f: {  	[hbm4b:s0+s22] =	stream.strided.scatter [tilespmem:s18], [sflag:$0x3], $0x2000, s11, s22, $0x38;
	[tilespmem:$0x1C800] =	vst v63  }
0x180: {  	s31 =	sadd.s32 s25, s30  }
0x181: {  	[hbm4b:s31+s22] =	stream.strided.scatter [tilespmem:s19], [sflag:$0x3], $0x2000, s11, s22, $0x38;
	[tilespmem:$0x1C800] =	vst v63  }
0x182: {  	_ =	swait.ge [sflag:s23], $0x2000  }
0x183: {  	[sflag:s23] =	ssyncset.done $0x0  }
0x184: {  	[sflag:s23] =	ssyncadd.s32 $0xFFFFE000  }
0x185: {  	_ =	swait.ge [sflag:s23], $0x2000  }
0x186: {  	[sflag:s23] =	ssyncset.done $0x0  }
0x187: {  	[sflag:s23] =	ssyncadd.s32 $0xFFFFE000  }
0x188: {  	_ =	swait.ge [sflag:s23], $0x2000  }
0x189: {  	[sflag:s23] =	ssyncset.done $0x0  }
0x18a: {  	[sflag:s23] =	ssyncadd.s32 $0xFFFFE000  }
0x18b: {  	_ =	swait.ge [sflag:s23], $0x2000  }
0x18c: {  	[sflag:s23] =	ssyncset.done $0x0  }
0x18d: {  	[sflag:s23] =	ssyncadd.s32 $0xFFFFE000  }
0x18e: {  	_ =	swait.ge [sflag:s23], $0x2000  }
0x18f: {  	[sflag:s23] =	ssyncset.done $0x0  }
0x190: {  	[sflag:s23] =	ssyncadd.s32 $0xFFFFE000  }
0x191: {  	_ =	swait.ge [sflag:s23], $0x2000  }
0x192: {  	[sflag:s23] =	ssyncset.done $0x0  }
0x193: {  	s24 =	sadd.s32 $0x1, s24;
	[sflag:s23] =	ssyncadd.s32 $0xFFFFE000  }
0x194: {  	p0 =	sne.s32 s24, s8;
	_ =	swait.ge [sflag:s23], $0x2000  }
.Ltmp1:
0x195: {  	[sflag:s23] =	ssyncset.done $0x0;
	(pc) =	sbr.rel @p0 .LBB2_1-.Ltmp1, $4  }
0x196: {  	[sflag:s23] =	ssyncadd.s32 $0xFFFFE000  }
0x197: {  	_ =	swait.ge [sflag:s23], $0x2000  }
0x198: {  	[sflag:s23] =	ssyncset.done $0x0  }
0x199: {  	[sflag:s23] =	ssyncadd.s32 $0xFFFFE000  }
0x19a: {  	_ =	sfence.sel $0x180000  }
0x19b: {  	[bflag:$0x0] =	sbarrier.arrive $0xFFFF  }
0x19c: {  	_ =	strace $0x90000047  }
0x19d: {  	[bflag:$0x2] =	sbarrier.arrive $0xFFFF  }
0x19e: {  	p0 =	sne.s32 s1, $0x0;
	s0 =	rddreg [dreg:$0x2]  }
0x19f: {  	s0 =	sadd.s32 @!p0 $0x100000, s0  }
0x1a0: {  	[sflag:s0] =	ssyncadd.tile.s32 @!p0 $0x1;
	_ =	shalt  }
.Lfunc_end2:
_tile_overlayer_lowered:
.L_overlay_start_2:
0x1a1: {  	(tag) =	ssettag $0x2  }
0x1a2: {  	s0 =	rddreg [dreg:$0x0];
	s2 =	stileid.u32  }
0x1a3: {  	s1 =	rddreg [dreg:$0x1];
	p0 =	sne.s32 s2, $0x0  }
0x1a4: {  	s3 =	rddreg [dreg:$0x2];
	[bflag:$0x3] =	sbarrier.arrive $0xFFFF;
	s2 =	simm.s32 @!p0 $0x1C04  }
0x1a5: {  	[timem:s3], [sflag:s2] =	dma.local @!p0 [hbm:s0], s1  }
0x1a6: {  	s0 =	simm.s32 @!p0 $0x4  }
0x1a7: {  	_ =	swait.ge @!p0 [sflag:s0], s1  }
0x1a8: {  	s1 =	ssub.s32 @!p0 $0x0, s1;
	[sflag:s0] =	ssyncset.done @!p0 $0x0  }
0x1a9: {  	[sflag:s0] =	ssyncadd.s32 @!p0 s1  }
0x1aa: {  	[bflag:$0x3] =	sbarrier.arrive $0xFFFF  }
0x1ab: {  	_ =	shalt  }

</sc_bundles>
